<compile_context>
chip_gen: v7x
topology: tpu7x:2x2x1
jax: 0.10.2.dev20260603
libtpu: 0.0.44.dev20260713+nightly
codegen_flags: <defaults>
</compile_context>

<pallas_src>
import dataclasses
import functools

import jax
import jax.numpy as jnp
from jax.experimental import pallas as pl
from jax.experimental.pallas import tpu as pltpu
from jax.experimental.pallas import tpu_sc as plsc

N_NODES = 10000
N_EDGES = 320000
D_NODE = 128
D_EDGE = 16
D_OUT = 128

NC = 2
NS = 16
NW = NC * NS
EPT = N_EDGES // NW
CHUNK = 40
NCHUNK = EPT // CHUNK
NROWCHUNK = N_NODES // CHUNK
CNT_ROWS = 80
LANES = 16

_HIGH = jax.lax.Precision.HIGHEST


def _proj_body(nf_ref, wn_ref, bn_ref, ef_ref, wm_ref,
               p_ref, q_ref, r_ref, e_ref):
    z = jnp.dot(nf_ref[...], wn_ref[...], precision=_HIGH) + bn_ref[...]
    p_ref[...] = z[:, 0:128]
    q_ref[...] = z[:, 128:256]
    r_ref[...] = z[:, 256:384]
    e_ref[...] = jax.lax.dot_general(
        ef_ref[...].astype(jnp.bfloat16), wm_ref[...],
        (((0,), (0,)), ((), ())), preferred_element_type=jnp.float32)


def _tc_proj(nf, wn, bn, ef, wm):
    grid = 25
    nb = N_NODES // grid
    eb = N_EDGES // grid
    return pl.pallas_call(
        _proj_body,
        grid=(grid,),
        in_specs=[
            pl.BlockSpec((nb, D_NODE), lambda i: (i, 0)),
            pl.BlockSpec((D_NODE, 384), lambda i: (0, 0)),
            pl.BlockSpec((1, 384), lambda i: (0, 0)),
            pl.BlockSpec((D_EDGE, eb), lambda i: (0, i)),
            pl.BlockSpec((D_EDGE, D_OUT), lambda i: (0, 0)),
        ],
        out_specs=[
            pl.BlockSpec((nb, D_OUT), lambda i: (i, 0)),
            pl.BlockSpec((nb, D_OUT), lambda i: (i, 0)),
            pl.BlockSpec((nb, D_OUT), lambda i: (i, 0)),
            pl.BlockSpec((eb, D_OUT), lambda i: (i, 0)),
        ],
        out_shape=[
            jax.ShapeDtypeStruct((N_NODES, D_OUT), jnp.float32),
            jax.ShapeDtypeStruct((N_NODES, D_OUT), jnp.float32),
            jax.ShapeDtypeStruct((N_NODES, D_OUT), jnp.float32),
            jax.ShapeDtypeStruct((N_EDGES, D_OUT), jnp.float32),
        ],
    )(nf, wn, bn, ef, wm)


def _sc_edge_body(p_hbm, q_hbm, e_hbm, src_hbm, dst_hbm,
                  out_s_hbm, out_c_hbm,
                  acc, acc_cnt,
                  src_a, dst_a, src_b, dst_b, cidx_a, cidx_b, col_a, col_b,
                  p_a, q_a, m_a, oh_a, p_b, q_b, m_b, oh_b,
                  sem_sa, sem_da, sem_sb, sem_db,
                  sem_pa, sem_qa, sem_ea, sem_pb, sem_qb, sem_eb,
                  sem_ma, sem_mb, sem_oa, sem_ob):
    c = jax.lax.axis_index("c")
    s = jax.lax.axis_index("s")
    wid = s * NC + c
    tbase = wid * EPT

    zero16 = jnp.zeros((LANES,), jnp.float32)
    one16 = jnp.ones((LANES,), jnp.float32)
    iota16 = jax.lax.iota(jnp.int32, LANES)
    mask_hi = iota16 >= 8

    @pl.loop(0, CHUNK)
    def _(r):
        for seg in range(D_OUT // LANES):
            sl = pl.ds(seg * LANES, LANES)
            m_a[r, sl] = zero16
            oh_a[r, sl] = zero16
            oh_b[r, sl] = zero16

    @pl.loop(0, (NROWCHUNK + NS - 1) // NS)
    def _(j):
        k = j * NS + s

        @pl.when(k < NROWCHUNK)
        def _():
            pltpu.sync_copy(m_a, acc.at[pl.ds(k * CHUNK, CHUNK)])

    @pl.when(s == 0)
    def _():
        pltpu.sync_copy(m_a, acc_cnt.at[pl.ds(0, CHUNK)])
        pltpu.sync_copy(m_a, acc_cnt.at[pl.ds(CHUNK, CHUNK)])

    plsc.subcore_barrier()

    def issue_idx(i, src_v, dst_v, sem_s, sem_d):
        eb = tbase + i * CHUNK
        pltpu.async_copy(src_hbm.at[pl.ds(eb, CHUNK)], src_v, sem_s)
        pltpu.async_copy(dst_hbm.at[pl.ds(eb, CHUNK)], dst_v, sem_d)

    def wait_idx(src_v, dst_v, sem_s, sem_d):
        pltpu.make_async_copy(src_hbm.at[pl.ds(0, CHUNK)], src_v, sem_s).wait()
        pltpu.make_async_copy(dst_hbm.at[pl.ds(0, CHUNK)], dst_v, sem_d).wait()

    def issue_gathers(i, src_v, dst_v, p_v, q_v, m_v, sem_p, sem_q, sem_e):
        eb = tbase + i * CHUNK
        pltpu.async_copy(p_hbm.at[src_v], p_v, sem_p)
        pltpu.async_copy(q_hbm.at[dst_v], q_v, sem_q)
        pltpu.async_copy(e_hbm.at[pl.ds(eb, CHUNK)], m_v, sem_e)

    def wait_gathers(src_v, dst_v, p_v, q_v, m_v, sem_p, sem_q, sem_e):
        pltpu.make_async_copy(p_hbm.at[src_v], p_v, sem_p).wait()
        pltpu.make_async_copy(q_hbm.at[dst_v], q_v, sem_q).wait()
        pltpu.make_async_copy(e_hbm.at[pl.ds(0, CHUNK)], m_v, sem_e).wait()

    def compute(p_v, q_v, m_v):
        @pl.loop(0, CHUNK)
        def _(r):
            for seg in range(D_OUT // LANES):
                sl = pl.ds(seg * LANES, LANES)
                m_v[r, sl] = jnp.maximum(
                    p_v[r, sl] + q_v[r, sl] + m_v[r, sl], 0.0)

    oh_groups = [(0, None), (16, None), (24, mask_hi)]

    def build_counts(dst_v, cidx_v, col_v, oh_v):
        for off, msk in oh_groups:
            d16 = dst_v[pl.ds(off, LANES)]
            row16 = iota16 + off
            col16 = jax.lax.bitwise_and(d16, 127)
            col_v[pl.ds(off, LANES)] = col16
            cidx_v[pl.ds(off, LANES)] = jax.lax.shift_right_logical(d16, 7)
            plsc.store_scatter(oh_v, [row16, col16], one16, mask=msk)

    def clear_counts(col_v, oh_v):
        for off, msk in oh_groups:
            row16 = iota16 + off
            col16 = col_v[pl.ds(off, LANES)]
            plsc.store_scatter(oh_v, [row16, col16], zero16, mask=msk)

    def wait_scatter(src_v, dst_ref, sem):
        pltpu.make_async_copy(src_v, dst_ref, sem).wait()

    issue_idx(0, src_a, dst_a, sem_sa, sem_da)
    issue_idx(1, src_b, dst_b, sem_sb, sem_db)
    wait_idx(src_a, dst_a, sem_sa, sem_da)
    issue_gathers(0, src_a, dst_a, p_a, q_a, m_a, sem_pa, sem_qa, sem_ea)

    nbody = NCHUNK // 2

    @pl.loop(0, nbody)
    def _(j):
        i = j * 2
        wait_idx(src_b, dst_b, sem_sb, sem_db)
        issue_gathers(i + 1, src_b, dst_b, p_b, q_b, m_b,
                      sem_pb, sem_qb, sem_eb)
        wait_gathers(src_a, dst_a, p_a, q_a, m_a, sem_pa, sem_qa, sem_ea)
        compute(p_a, q_a, m_a)
        pltpu.async_copy(m_a, acc.at[dst_a], sem_ma, add=True)
        build_counts(dst_a, cidx_a, col_a, oh_a)
        pltpu.async_copy(oh_a, acc_cnt.at[cidx_a], sem_oa, add=True)
        wait_gathers(src_b, dst_b, p_b, q_b, m_b, sem_pb, sem_qb, sem_eb)
        compute(p_b, q_b, m_b)
        pltpu.async_copy(m_b, acc.at[dst_b], sem_mb, add=True)
        build_counts(dst_b, cidx_b, col_b, oh_b)
        pltpu.async_copy(oh_b, acc_cnt.at[cidx_b], sem_ob, add=True)
        wait_scatter(oh_a, acc_cnt.at[cidx_a], sem_oa)
        clear_counts(col_a, oh_a)
        wait_scatter(m_a, acc.at[dst_a], sem_ma)

        @pl.when(j < nbody - 1)
        def _():
            issue_idx(i + 2, src_a, dst_a, sem_sa, sem_da)

        wait_scatter(oh_b, acc_cnt.at[cidx_b], sem_ob)
        clear_counts(col_b, oh_b)
        wait_scatter(m_b, acc.at[dst_b], sem_mb)

        @pl.when(j < nbody - 1)
        def _():
            issue_idx(i + 3, src_b, dst_b, sem_sb, sem_db)
            wait_idx(src_a, dst_a, sem_sa, sem_da)
            issue_gathers(i + 2, src_a, dst_a, p_a, q_a, m_a,
                          sem_pa, sem_qa, sem_ea)

    plsc.subcore_barrier()

    @pl.loop(0, (NROWCHUNK + NS - 1) // NS)
    def _(j):
        k = j * NS + s

        @pl.when(k < NROWCHUNK)
        def _():
            pltpu.sync_copy(acc.at[pl.ds(k * CHUNK, CHUNK)],
                            out_s_hbm.at[c, pl.ds(k * CHUNK, CHUNK)])

    @pl.when(s == 0)
    def _():
        pltpu.sync_copy(acc_cnt, out_c_hbm.at[c])


def _sc_edge(p, q, e, src, dst):
    mesh = plsc.VectorSubcoreMesh(core_axis_name="c", subcore_axis_name="s")
    cp = pltpu.CompilerParams()
    if "needs_layout_passes" in pltpu.CompilerParams.__dataclass_fields__:
        cp = dataclasses.replace(cp, needs_layout_passes=False)
    cp = dataclasses.replace(cp, use_tc_tiling_on_sc=True)
    kern = pl.kernel(
        _sc_edge_body,
        out_type=[
            jax.ShapeDtypeStruct((NC, N_NODES, D_OUT), jnp.float32),
            jax.ShapeDtypeStruct((NC, CNT_ROWS, 128), jnp.float32),
        ],
        mesh=mesh,
        scratch_types=[
            pltpu.VMEM_SHARED((N_NODES, D_OUT), jnp.float32),
            pltpu.VMEM_SHARED((CNT_ROWS, 128), jnp.float32),
        ] + [pltpu.VMEM((CHUNK,), jnp.int32)] * 8 + [
            pltpu.VMEM((CHUNK, D_OUT), jnp.float32),
            pltpu.VMEM((CHUNK, D_OUT), jnp.float32),
            pltpu.VMEM((CHUNK, D_OUT), jnp.float32),
            pltpu.VMEM((CHUNK, D_OUT), jnp.float32),
            pltpu.VMEM((CHUNK, D_OUT), jnp.float32),
            pltpu.VMEM((CHUNK, D_OUT), jnp.float32),
            pltpu.VMEM((CHUNK, D_OUT), jnp.float32),
            pltpu.VMEM((CHUNK, D_OUT), jnp.float32),
        ] + [pltpu.SemaphoreType.DMA] * 14,
        compiler_params=cp,
    )
    return kern(p, q, e, src, dst)


def _finish_body(parts_ref, cnt_ref, r_ref, wv_ref, out_ref):
    s = parts_ref[0] + parts_ref[1]
    neigh = s / jnp.maximum(cnt_ref[...], 1.0)
    out_ref[...] = jax.nn.relu(
        jnp.dot(neigh, wv_ref[...], precision=_HIGH) + r_ref[...])


def _tc_finish(parts, cnt, r, wv):
    grid = 10
    nb = N_NODES // grid
    return pl.pallas_call(
        _finish_body,
        grid=(grid,),
        in_specs=[
            pl.BlockSpec((NC, nb, D_OUT), lambda i: (0, i, 0)),
            pl.BlockSpec((nb, 1), lambda i: (i, 0)),
            pl.BlockSpec((nb, D_OUT), lambda i: (i, 0)),
            pl.BlockSpec((D_OUT, D_OUT), lambda i: (0, 0)),
        ],
        out_specs=pl.BlockSpec((nb, D_OUT), lambda i: (i, 0)),
        out_shape=jax.ShapeDtypeStruct((N_NODES, D_OUT), jnp.float32),
    )(parts, cnt, r, wv)


def kernel(node_feats, edge_feats, edge_index, W_e, b_e, W_v, b_v):
    wn = jnp.concatenate([W_e[0:128], W_e[144:272], W_v[128:256]], axis=1)
    bn = jnp.concatenate(
        [b_e, jnp.zeros((128,), jnp.float32), b_v]).reshape(1, 384)
    wm = W_e[128:144].astype(jnp.bfloat16)

    p, q, r, e = _tc_proj(node_feats, wn, bn, edge_feats.T, wm)

    src = edge_index[0].astype(jnp.int32)
    dst = edge_index[1].astype(jnp.int32)

    parts, parts_cnt = _sc_edge(p, q, e, src, dst)
    cnt = (parts_cnt[0] + parts_cnt[1]).reshape(-1)[:N_NODES]
    return _tc_finish(parts, cnt.reshape(N_NODES, 1), r, W_v[0:128])

# --- scband reference (transcript-rebuilt; emitter-appended) ---
"""Pipeline reference for scband-node-gnblock-88837103551520 (READ-ONLY COPY).

The authoritative reference and input builder live on the scoring server;
editing this copy changes nothing except your own understanding.
"""

import jax, jax.numpy as jnp
import numpy as np

N_NODES = 10000
N_EDGES = 320000
D_NODE = 128
D_EDGE = 16
D_OUT = 128


def setup_inputs(seed: int = 0) -> dict:
    key = jax.random.key(seed)
    k1, k2, k3, k4, k5, k6, k7 = jax.random.split(key, 7)
    node_feats = jax.random.normal(k1, (N_NODES, D_NODE), dtype=jnp.float32)
    edge_feats = jax.random.normal(k2, (N_EDGES, D_EDGE), dtype=jnp.float32)
    edge_index = jax.random.randint(k3, (2, N_EDGES), 0, N_NODES, dtype=jnp.int64)
    # f_e: Linear(in_src + in_edge + in_dst -> out), Kaiming-ish init
    d_in_e = D_NODE + D_EDGE + D_NODE
    W_e = jax.random.normal(k4, (d_in_e, D_OUT), dtype=jnp.float32) / np.sqrt(d_in_e)
    b_e = jnp.zeros((D_OUT,), dtype=jnp.float32)
    # f_v: Linear(out + in_dst -> out)
    d_in_v = D_OUT + D_NODE
    W_v = jax.random.normal(k5, (d_in_v, D_OUT), dtype=jnp.float32) / np.sqrt(d_in_v)
    b_v = jnp.zeros((D_OUT,), dtype=jnp.float32)
    return {"node_feats": node_feats, "edge_feats": edge_feats, "edge_index": edge_index,
            "W_e": W_e, "b_e": b_e, "W_v": W_v, "b_v": b_v}


def reference(node_feats, edge_feats, edge_index, W_e, b_e, W_v, b_v):
    src = edge_index[0]
    dst = edge_index[1]
    # edge update: m = relu(Linear([v_i_src, e, v_j_dst]))
    x = jnp.concatenate([node_feats[src], edge_feats, node_feats[dst]], axis=1)
    m = jax.nn.relu(x @ W_e + b_e)
    # mean aggregation over destination nodes (zero for isolated nodes, like DGL)
    n = node_feats.shape[0]
    s = jax.ops.segment_sum(m, dst, num_segments=n)
    cnt = jax.ops.segment_sum(jnp.ones((m.shape[0], 1), dtype=m.dtype), dst, num_segments=n)
    neigh = s / jnp.maximum(cnt, 1.0)
    # node update: relu(Linear([neigh, v_j]))
    out = jax.nn.relu(jnp.concatenate([neigh, node_feats], axis=1) @ W_v + b_v)
    return out

if __name__ == "__main__":
    import jax
    _d = setup_inputs()
    print(jax.jit(kernel)(*tuple(_d.values())))

</pallas_src>

<mosaic_0001>
#map = affine_map<(d0, d1) -> (0, 0)>
#map1 = affine_map<(d0, d1) -> (0)>
#map2 = affine_map<(d0, d1) -> (0, 0, 0)>
module attributes {stable_mosaic.version = 14 : i64} {
  func.func @_sc_edge_body(%arg0: i32, %arg1: i32, %arg2: memref<10000x128xf32, #tpu.memory_space<hbm>>, %arg3: memref<10000x128xf32, #tpu.memory_space<hbm>>, %arg4: memref<320000x128xf32, #tpu.memory_space<hbm>>, %arg5: memref<320000xi32, #tpu.memory_space<hbm>>, %arg6: memref<320000xi32, #tpu.memory_space<hbm>>, %arg7: memref<2x10000x128xf32, #tpu.memory_space<hbm>>, %arg8: memref<2x80x128xf32, #tpu.memory_space<hbm>>, %arg9: memref<10000x128xf32, #tpu.memory_space<vmem_shared>>, %arg10: memref<80x128xf32, #tpu.memory_space<vmem_shared>>, %arg11: memref<40xi32, #tpu.memory_space<vmem>>, %arg12: memref<40xi32, #tpu.memory_space<vmem>>, %arg13: memref<40xi32, #tpu.memory_space<vmem>>, %arg14: memref<40xi32, #tpu.memory_space<vmem>>, %arg15: memref<40xi32, #tpu.memory_space<vmem>>, %arg16: memref<40xi32, #tpu.memory_space<vmem>>, %arg17: memref<40xi32, #tpu.memory_space<vmem>>, %arg18: memref<40xi32, #tpu.memory_space<vmem>>, %arg19: memref<40x128xf32, #tpu.memory_space<vmem>>, %arg20: memref<40x128xf32, #tpu.memory_space<vmem>>, %arg21: memref<40x128xf32, #tpu.memory_space<vmem>>, %arg22: memref<40x128xf32, #tpu.memory_space<vmem>>, %arg23: memref<40x128xf32, #tpu.memory_space<vmem>>, %arg24: memref<40x128xf32, #tpu.memory_space<vmem>>, %arg25: memref<40x128xf32, #tpu.memory_space<vmem>>, %arg26: memref<40x128xf32, #tpu.memory_space<vmem>>, %arg27: memref<!tpu.dma_semaphore, #tpu.memory_space<semaphore_mem>>, %arg28: memref<!tpu.dma_semaphore, #tpu.memory_space<semaphore_mem>>, %arg29: memref<!tpu.dma_semaphore, #tpu.memory_space<semaphore_mem>>, %arg30: memref<!tpu.dma_semaphore, #tpu.memory_space<semaphore_mem>>, %arg31: memref<!tpu.dma_semaphore, #tpu.memory_space<semaphore_mem>>, %arg32: memref<!tpu.dma_semaphore, #tpu.memory_space<semaphore_mem>>, %arg33: memref<!tpu.dma_semaphore, #tpu.memory_space<semaphore_mem>>, %arg34: memref<!tpu.dma_semaphore, #tpu.memory_space<semaphore_mem>>, %arg35: memref<!tpu.dma_semaphore, #tpu.memory_space<semaphore_mem>>, %arg36: memref<!tpu.dma_semaphore, #tpu.memory_space<semaphore_mem>>, %arg37: memref<!tpu.dma_semaphore, #tpu.memory_space<semaphore_mem>>, %arg38: memref<!tpu.dma_semaphore, #tpu.memory_space<semaphore_mem>>, %arg39: memref<!tpu.dma_semaphore, #tpu.memory_space<semaphore_mem>>, %arg40: memref<!tpu.dma_semaphore, #tpu.memory_space<semaphore_mem>>) attributes {dimension_semantics = [#tpu.dimension_semantics<core_parallel>, #tpu.dimension_semantics<subcore_parallel>], iteration_bounds = array<i64: 2, 16>, scalar_prefetch = 0 : i64, scratch_operands = 32 : i64, tpu.core_type = #tpu.core_type<sc_vector_subcore>, window_params = [{transform_indices = #map}, {transform_indices = #map}, {transform_indices = #map}, {transform_indices = #map1}, {transform_indices = #map1}, {transform_indices = #map2}, {transform_indices = #map2}]} {
    %mul3A = arith.constant 2 : i32
    %mul3A_0 = arith.muli %arg1, %mul3A : i32
    %add3A = arith.addi %mul3A_0, %arg0 : i32
    %mul3A_1 = arith.constant 10000 : i32
    %mul3A_2 = arith.muli %add3A, %mul3A_1 : i32
    %broadcast_in_dim3A = arith.constant 0.000000e+00 : f32
    %broadcast_in_dim3A_3 = vector.broadcast %broadcast_in_dim3A : f32 to vector<16xf32>
    %broadcast_in_dim3A_4 = arith.constant 1.000000e+00 : f32
    %broadcast_in_dim3A_5 = vector.broadcast %broadcast_in_dim3A_4 : f32 to vector<16xf32>
    %iota3A = tpu.iota {dimensions = array<i32: 0>} : vector<16xi32>
    %ge3A = arith.constant 8 : i32
    %ge3A_6 = vector.broadcast %ge3A : i32 to vector<16xi32>
    %ge3A_7 = arith.cmpi sge, %iota3A, %ge3A_6 : vector<16xi32>
    %scan3A = arith.constant 0 : i32
    %scan3A_8 = arith.constant 40 : i32
    %scan3A_9 = arith.addi %scan3A, %scan3A_8 : i32
    %scan3A_10 = arith.constant 1 : i32
    scf.for %scan3A_65 = %scan3A to %scan3A_9 step %scan3A_10  : i32 {
      %mul3A_66 = arith.constant 1 : i32
      %mul3A_67 = arith.muli %scan3A_65, %mul3A_66 : i32
      %add3A_68 = arith.constant 0 : i32
      %add3A_69 = arith.addi %add3A_68, %mul3A_67 : i32
      %swap3A = arith.index_cast %add3A_69 : i32 to index
      %swap3A_70 = arith.constant 0 : index
      %swap3A_71 = tpu.vector_load %arg21[%swap3A, %swap3A_70] {strides = array<i32>} : memref<40x128xf32, #tpu.memory_space<vmem>>, vector<16xf32>,
      tpu.vector_store %arg21[%swap3A, %swap3A_70], %broadcast_in_dim3A_3 {strides = array<i32>} : memref<40x128xf32, #tpu.memory_space<vmem>>, vector<16xf32>,
      %swap3A_72 = arith.index_cast %add3A_69 : i32 to index
      %swap3A_73 = arith.constant 0 : index
      %swap3A_74 = tpu.vector_load %arg22[%swap3A_72, %swap3A_73] {strides = array<i32>} : memref<40x128xf32, #tpu.memory_space<vmem>>, vector<16xf32>,
      tpu.vector_store %arg22[%swap3A_72, %swap3A_73], %broadcast_in_dim3A_3 {strides = array<i32>} : memref<40x128xf32, #tpu.memory_space<vmem>>, vector<16xf32>,
      %swap3A_75 = arith.index_cast %add3A_69 : i32 to index
      %swap3A_76 = arith.constant 0 : index
      %swap3A_77 = tpu.vector_load %arg26[%swap3A_75, %swap3A_76] {strides = array<i32>} : memref<40x128xf32, #tpu.memory_space<vmem>>, vector<16xf32>,
      tpu.vector_store %arg26[%swap3A_75, %swap3A_76], %broadcast_in_dim3A_3 {strides = array<i32>} : memref<40x128xf32, #tpu.memory_space<vmem>>, vector<16xf32>,
      %swap3A_78 = arith.index_cast %add3A_69 : i32 to index
      %swap3A_79 = arith.constant 16 : index
      %swap3A_80 = tpu.vector_load %arg21[%swap3A_78, %swap3A_79] {strides = array<i32>} : memref<40x128xf32, #tpu.memory_space<vmem>>, vector<16xf32>,
      tpu.vector_store %arg21[%swap3A_78, %swap3A_79], %broadcast_in_dim3A_3 {strides = array<i32>} : memref<40x128xf32, #tpu.memory_space<vmem>>, vector<16xf32>,
      %swap3A_81 = arith.index_cast %add3A_69 : i32 to index
      %swap3A_82 = arith.constant 16 : index
      %swap3A_83 = tpu.vector_load %arg22[%swap3A_81, %swap3A_82] {strides = array<i32>} : memref<40x128xf32, #tpu.memory_space<vmem>>, vector<16xf32>,
      tpu.vector_store %arg22[%swap3A_81, %swap3A_82], %broadcast_in_dim3A_3 {strides = array<i32>} : memref<40x128xf32, #tpu.memory_space<vmem>>, vector<16xf32>,
      %swap3A_84 = arith.index_cast %add3A_69 : i32 to index
      %swap3A_85 = arith.constant 16 : index
      %swap3A_86 = tpu.vector_load %arg26[%swap3A_84, %swap3A_85] {strides = array<i32>} : memref<40x128xf32, #tpu.memory_space<vmem>>, vector<16xf32>,
      tpu.vector_store %arg26[%swap3A_84, %swap3A_85], %broadcast_in_dim3A_3 {strides = array<i32>} : memref<40x128xf32, #tpu.memory_space<vmem>>, vector<16xf32>,
      %swap3A_87 = arith.index_cast %add3A_69 : i32 to index
      %swap3A_88 = arith.constant 32 : index
      %swap3A_89 = tpu.vector_load %arg21[%swap3A_87, %swap3A_88] {strides = array<i32>} : memref<40x128xf32, #tpu.memory_space<vmem>>, vector<16xf32>,
      tpu.vector_store %arg21[%swap3A_87, %swap3A_88], %broadcast_in_dim3A_3 {strides = array<i32>} : memref<40x128xf32, #tpu.memory_space<vmem>>, vector<16xf32>,
      %swap3A_90 = arith.index_cast %add3A_69 : i32 to index
      %swap3A_91 = arith.constant 32 : index
      %swap3A_92 = tpu.vector_load %arg22[%swap3A_90, %swap3A_91] {strides = array<i32>} : memref<40x128xf32, #tpu.memory_space<vmem>>, vector<16xf32>,
      tpu.vector_store %arg22[%swap3A_90, %swap3A_91], %broadcast_in_dim3A_3 {strides = array<i32>} : memref<40x128xf32, #tpu.memory_space<vmem>>, vector<16xf32>,
      %swap3A_93 = arith.index_cast %add3A_69 : i32 to index
      %swap3A_94 = arith.constant 32 : index
      %swap3A_95 = tpu.vector_load %arg26[%swap3A_93, %swap3A_94] {strides = array<i32>} : memref<40x128xf32, #tpu.memory_space<vmem>>, vector<16xf32>,
      tpu.vector_store %arg26[%swap3A_93, %swap3A_94], %broadcast_in_dim3A_3 {strides = array<i32>} : memref<40x128xf32, #tpu.memory_space<vmem>>, vector<16xf32>,
      %swap3A_96 = arith.index_cast %add3A_69 : i32 to index
      %swap3A_97 = arith.constant 48 : index
      %swap3A_98 = tpu.vector_load %arg21[%swap3A_96, %swap3A_97] {strides = array<i32>} : memref<40x128xf32, #tpu.memory_space<vmem>>, vector<16xf32>,
      tpu.vector_store %arg21[%swap3A_96, %swap3A_97], %broadcast_in_dim3A_3 {strides = array<i32>} : memref<40x128xf32, #tpu.memory_space<vmem>>, vector<16xf32>,
      %swap3A_99 = arith.index_cast %add3A_69 : i32 to index
      %swap3A_100 = arith.constant 48 : index
      %swap3A_101 = tpu.vector_load %arg22[%swap3A_99, %swap3A_100] {strides = array<i32>} : memref<40x128xf32, #tpu.memory_space<vmem>>, vector<16xf32>,
      tpu.vector_store %arg22[%swap3A_99, %swap3A_100], %broadcast_in_dim3A_3 {strides = array<i32>} : memref<40x128xf32, #tpu.memory_space<vmem>>, vector<16xf32>,
      %swap3A_102 = arith.index_cast %add3A_69 : i32 to index
      %swap3A_103 = arith.constant 48 : index
      %swap3A_104 = tpu.vector_load %arg26[%swap3A_102, %swap3A_103] {strides = array<i32>} : memref<40x128xf32, #tpu.memory_space<vmem>>, vector<16xf32>,
      tpu.vector_store %arg26[%swap3A_102, %swap3A_103], %broadcast_in_dim3A_3 {strides = array<i32>} : memref<40x128xf32, #tpu.memory_space<vmem>>, vector<16xf32>,
      %swap3A_105 = arith.index_cast %add3A_69 : i32 to index
      %swap3A_106 = arith.constant 64 : index
      %swap3A_107 = tpu.vector_load %arg21[%swap3A_105, %swap3A_106] {strides = array<i32>} : memref<40x128xf32, #tpu.memory_space<vmem>>, vector<16xf32>,
      tpu.vector_store %arg21[%swap3A_105, %swap3A_106], %broadcast_in_dim3A_3 {strides = array<i32>} : memref<40x128xf32, #tpu.memory_space<vmem>>, vector<16xf32>,
      %swap3A_108 = arith.index_cast %add3A_69 : i32 to index
      %swap3A_109 = arith.constant 64 : index
      %swap3A_110 = tpu.vector_load %arg22[%swap3A_108, %swap3A_109] {strides = array<i32>} : memref<40x128xf32, #tpu.memory_space<vmem>>, vector<16xf32>,
      tpu.vector_store %arg22[%swap3A_108, %swap3A_109], %broadcast_in_dim3A_3 {strides = array<i32>} : memref<40x128xf32, #tpu.memory_space<vmem>>, vector<16xf32>,
      %swap3A_111 = arith.index_cast %add3A_69 : i32 to index
      %swap3A_112 = arith.constant 64 : index
      %swap3A_113 = tpu.vector_load %arg26[%swap3A_111, %swap3A_112] {strides = array<i32>} : memref<40x128xf32, #tpu.memory_space<vmem>>, vector<16xf32>,
      tpu.vector_store %arg26[%swap3A_111, %swap3A_112], %broadcast_in_dim3A_3 {strides = array<i32>} : memref<40x128xf32, #tpu.memory_space<vmem>>, vector<16xf32>,
      %swap3A_114 = arith.index_cast %add3A_69 : i32 to index
      %swap3A_115 = arith.constant 80 : index
      %swap3A_116 = tpu.vector_load %arg21[%swap3A_114, %swap3A_115] {strides = array<i32>} : memref<40x128xf32, #tpu.memory_space<vmem>>, vector<16xf32>,
      tpu.vector_store %arg21[%swap3A_114, %swap3A_115], %broadcast_in_dim3A_3 {strides = array<i32>} : memref<40x128xf32, #tpu.memory_space<vmem>>, vector<16xf32>,
      %swap3A_117 = arith.index_cast %add3A_69 : i32 to index
      %swap3A_118 = arith.constant 80 : index
      %swap3A_119 = tpu.vector_load %arg22[%swap3A_117, %swap3A_118] {strides = array<i32>} : memref<40x128xf32, #tpu.memory_space<vmem>>, vector<16xf32>,
      tpu.vector_store %arg22[%swap3A_117, %swap3A_118], %broadcast_in_dim3A_3 {strides = array<i32>} : memref<40x128xf32, #tpu.memory_space<vmem>>, vector<16xf32>,
      %swap3A_120 = arith.index_cast %add3A_69 : i32 to index
      %swap3A_121 = arith.constant 80 : index
      %swap3A_122 = tpu.vector_load %arg26[%swap3A_120, %swap3A_121] {strides = array<i32>} : memref<40x128xf32, #tpu.memory_space<vmem>>, vector<16xf32>,
      tpu.vector_store %arg26[%swap3A_120, %swap3A_121], %broadcast_in_dim3A_3 {strides = array<i32>} : memref<40x128xf32, #tpu.memory_space<vmem>>, vector<16xf32>,
      %swap3A_123 = arith.index_cast %add3A_69 : i32 to index
      %swap3A_124 = arith.constant 96 : index
      %swap3A_125 = tpu.vector_load %arg21[%swap3A_123, %swap3A_124] {strides = array<i32>} : memref<40x128xf32, #tpu.memory_space<vmem>>, vector<16xf32>,
      tpu.vector_store %arg21[%swap3A_123, %swap3A_124], %broadcast_in_dim3A_3 {strides = array<i32>} : memref<40x128xf32, #tpu.memory_space<vmem>>, vector<16xf32>,
      %swap3A_126 = arith.index_cast %add3A_69 : i32 to index
      %swap3A_127 = arith.constant 96 : index
      %swap3A_128 = tpu.vector_load %arg22[%swap3A_126, %swap3A_127] {strides = array<i32>} : memref<40x128xf32, #tpu.memory_space<vmem>>, vector<16xf32>,
      tpu.vector_store %arg22[%swap3A_126, %swap3A_127], %broadcast_in_dim3A_3 {strides = array<i32>} : memref<40x128xf32, #tpu.memory_space<vmem>>, vector<16xf32>,
      %swap3A_129 = arith.index_cast %add3A_69 : i32 to index
      %swap3A_130 = arith.constant 96 : index
      %swap3A_131 = tpu.vector_load %arg26[%swap3A_129, %swap3A_130] {strides = array<i32>} : memref<40x128xf32, #tpu.memory_space<vmem>>, vector<16xf32>,
      tpu.vector_store %arg26[%swap3A_129, %swap3A_130], %broadcast_in_dim3A_3 {strides = array<i32>} : memref<40x128xf32, #tpu.memory_space<vmem>>, vector<16xf32>,
      %swap3A_132 = arith.index_cast %add3A_69 : i32 to index
      %swap3A_133 = arith.constant 112 : index
      %swap3A_134 = tpu.vector_load %arg21[%swap3A_132, %swap3A_133] {strides = array<i32>} : memref<40x128xf32, #tpu.memory_space<vmem>>, vector<16xf32>,
      tpu.vector_store %arg21[%swap3A_132, %swap3A_133], %broadcast_in_dim3A_3 {strides = array<i32>} : memref<40x128xf32, #tpu.memory_space<vmem>>, vector<16xf32>,
      %swap3A_135 = arith.index_cast %add3A_69 : i32 to index
      %swap3A_136 = arith.constant 112 : index
      %swap3A_137 = tpu.vector_load %arg22[%swap3A_135, %swap3A_136] {strides = array<i32>} : memref<40x128xf32, #tpu.memory_space<vmem>>, vector<16xf32>,
      tpu.vector_store %arg22[%swap3A_135, %swap3A_136], %broadcast_in_dim3A_3 {strides = array<i32>} : memref<40x128xf32, #tpu.memory_space<vmem>>, vector<16xf32>,
      %swap3A_138 = arith.index_cast %add3A_69 : i32 to index
      %swap3A_139 = arith.constant 112 : index
      %swap3A_140 = tpu.vector_load %arg26[%swap3A_138, %swap3A_139] {strides = array<i32>} : memref<40x128xf32, #tpu.memory_space<vmem>>, vector<16xf32>,
      tpu.vector_store %arg26[%swap3A_138, %swap3A_139], %broadcast_in_dim3A_3 {strides = array<i32>} : memref<40x128xf32, #tpu.memory_space<vmem>>, vector<16xf32>,
    }
    %scan3A_11 = arith.constant 40 : i32
    %scan3A_12 = arith.constant 0 : i32
    %scan3A_13 = arith.constant 16 : i32
    %scan3A_14 = arith.addi %scan3A_12, %scan3A_13 : i32
    %scan3A_15 = arith.constant 1 : i32
    scf.for %scan3A_65 = %scan3A_12 to %scan3A_14 step %scan3A_15  : i32 {
      %mul3A_66 = arith.constant 1 : i32
      %mul3A_67 = arith.muli %scan3A_65, %mul3A_66 : i32
      %add3A_68 = arith.constant 0 : i32
      %add3A_69 = arith.addi %add3A_68, %mul3A_67 : i32
      %mul3A_70 = arith.constant 16 : i32
      %mul3A_71 = arith.muli %add3A_69, %mul3A_70 : i32
      %add3A_72 = arith.addi %mul3A_71, %arg1 : i32
      %lt3A = arith.constant 250 : i32
      %lt3A_73 = arith.cmpi slt, %add3A_72, %lt3A : i32
      %convert_element_type3A_74 = arith.extui %lt3A_73 : i1 to i32
      %cond3A_75 = arith.constant 0 : i32
      %cond3A_76 = arith.cmpi ne, %convert_element_type3A_74, %cond3A_75 : i32
      scf.if %cond3A_76 {
        %mul3A_77 = arith.constant 40 : i32
        %mul3A_78 = arith.muli %add3A_72, %mul3A_77 : i32
        "tpu.region"() ({
          %run_scoped3A = tpu.sem_alloc : memref<!tpu.dma_semaphore, #tpu.memory_space<semaphore_mem>>
          %dma_start3A_79 = arith.constant 0 : i32
          %dma_start3A_80 = tpu.memref_slice %arg9[%mul3A_78, %dma_start3A_79] : memref<10000x128xf32, #tpu.memory_space<vmem_shared>> -> memref<40x128xf32, #tpu.memory_space<vmem_shared>>
          %dma_start3A_81 = arith.constant 0 : i32
          %dma_start3A_82 = tpu.memref_slice %arg9[%mul3A_78, %dma_start3A_81] : memref<10000x128xf32, #tpu.memory_space<vmem_shared>> -> memref<40x128xf32, #tpu.memory_space<vmem_shared>>
          tpu.enqueue_dma source(%arg21 : memref<40x128xf32, #tpu.memory_space<vmem>>) target(%dma_start3A_82 : memref<40x128xf32, #tpu.memory_space<vmem_shared>>) target_semaphore(%run_scoped3A : memref<!tpu.dma_semaphore, #tpu.memory_space<semaphore_mem>>)
          %dma_wait3A_83 = arith.constant 0 : i32
          %dma_wait3A_84 = tpu.memref_slice %arg9[%mul3A_78, %dma_wait3A_83] : memref<10000x128xf32, #tpu.memory_space<vmem_shared>> -> memref<40x128xf32, #tpu.memory_space<vmem_shared>>
          %dma_wait3A_85 = arith.constant 0 : i32
          %dma_wait3A_86 = tpu.memref_slice %arg9[%mul3A_78, %dma_wait3A_85] : memref<10000x128xf32, #tpu.memory_space<vmem_shared>> -> memref<40x128xf32, #tpu.memory_space<vmem_shared>>
          tpu.wait_dma2 semaphore(%run_scoped3A : memref<!tpu.dma_semaphore, #tpu.memory_space<semaphore_mem>>) src(%arg21 : memref<40x128xf32, #tpu.memory_space<vmem>>) dst(%dma_wait3A_86 : memref<40x128xf32, #tpu.memory_space<vmem_shared>>)
          tpu.yield
        }) : () -> ()
      } else {
      }
    }
    %scan3A_16 = arith.constant 16 : i32
    %eq3A = arith.constant 0 : i32
    %eq3A_17 = arith.cmpi eq, %arg1, %eq3A : i32
    %convert_element_type3A = arith.extui %eq3A_17 : i1 to i32
    %cond3A = arith.constant 0 : i32
    %cond3A_18 = arith.cmpi ne, %convert_element_type3A, %cond3A : i32
    scf.if %cond3A_18 {
      "tpu.region"() ({
        %run_scoped3A = tpu.sem_alloc : memref<!tpu.dma_semaphore, #tpu.memory_space<semaphore_mem>>
        %dma_start3A_65 = arith.constant 0 : i32
        %dma_start3A_66 = arith.constant 0 : i32
        %dma_start3A_67 = tpu.memref_slice %arg10[%dma_start3A_65, %dma_start3A_66] : memref<80x128xf32, #tpu.memory_space<vmem_shared>> -> memref<40x128xf32, #tpu.memory_space<vmem_shared>>
        %dma_start3A_68 = arith.constant 0 : i32
        %dma_start3A_69 = arith.constant 0 : i32
        %dma_start3A_70 = tpu.memref_slice %arg10[%dma_start3A_68, %dma_start3A_69] : memref<80x128xf32, #tpu.memory_space<vmem_shared>> -> memref<40x128xf32, #tpu.memory_space<vmem_shared>>
        tpu.enqueue_dma source(%arg21 : memref<40x128xf32, #tpu.memory_space<vmem>>) target(%dma_start3A_70 : memref<40x128xf32, #tpu.memory_space<vmem_shared>>) target_semaphore(%run_scoped3A : memref<!tpu.dma_semaphore, #tpu.memory_space<semaphore_mem>>)
        %dma_wait3A_71 = arith.constant 0 : i32
        %dma_wait3A_72 = arith.constant 0 : i32
        %dma_wait3A_73 = tpu.memref_slice %arg10[%dma_wait3A_71, %dma_wait3A_72] : memref<80x128xf32, #tpu.memory_space<vmem_shared>> -> memref<40x128xf32, #tpu.memory_space<vmem_shared>>
        %dma_wait3A_74 = arith.constant 0 : i32
        %dma_wait3A_75 = arith.constant 0 : i32
        %dma_wait3A_76 = tpu.memref_slice %arg10[%dma_wait3A_74, %dma_wait3A_75] : memref<80x128xf32, #tpu.memory_space<vmem_shared>> -> memref<40x128xf32, #tpu.memory_space<vmem_shared>>
        tpu.wait_dma2 semaphore(%run_scoped3A : memref<!tpu.dma_semaphore, #tpu.memory_space<semaphore_mem>>) src(%arg21 : memref<40x128xf32, #tpu.memory_space<vmem>>) dst(%dma_wait3A_76 : memref<40x128xf32, #tpu.memory_space<vmem_shared>>)
        tpu.yield
      }) : () -> ()
      "tpu.region"() ({
        %run_scoped3A = tpu.sem_alloc : memref<!tpu.dma_semaphore, #tpu.memory_space<semaphore_mem>>
        %dma_start3A_65 = arith.constant 40 : i32
        %dma_start3A_66 = arith.constant 0 : i32
        %dma_start3A_67 = tpu.memref_slice %arg10[%dma_start3A_65, %dma_start3A_66] : memref<80x128xf32, #tpu.memory_space<vmem_shared>> -> memref<40x128xf32, #tpu.memory_space<vmem_shared>>
        %dma_start3A_68 = arith.constant 40 : i32
        %dma_start3A_69 = arith.constant 0 : i32
        %dma_start3A_70 = tpu.memref_slice %arg10[%dma_start3A_68, %dma_start3A_69] : memref<80x128xf32, #tpu.memory_space<vmem_shared>> -> memref<40x128xf32, #tpu.memory_space<vmem_shared>>
        tpu.enqueue_dma source(%arg21 : memref<40x128xf32, #tpu.memory_space<vmem>>) target(%dma_start3A_70 : memref<40x128xf32, #tpu.memory_space<vmem_shared>>) target_semaphore(%run_scoped3A : memref<!tpu.dma_semaphore, #tpu.memory_space<semaphore_mem>>)
        %dma_wait3A_71 = arith.constant 40 : i32
        %dma_wait3A_72 = arith.constant 0 : i32
        %dma_wait3A_73 = tpu.memref_slice %arg10[%dma_wait3A_71, %dma_wait3A_72] : memref<80x128xf32, #tpu.memory_space<vmem_shared>> -> memref<40x128xf32, #tpu.memory_space<vmem_shared>>
        %dma_wait3A_74 = arith.constant 40 : i32
        %dma_wait3A_75 = arith.constant 0 : i32
        %dma_wait3A_76 = tpu.memref_slice %arg10[%dma_wait3A_74, %dma_wait3A_75] : memref<80x128xf32, #tpu.memory_space<vmem_shared>> -> memref<40x128xf32, #tpu.memory_space<vmem_shared>>
        tpu.wait_dma2 semaphore(%run_scoped3A : memref<!tpu.dma_semaphore, #tpu.memory_space<semaphore_mem>>) src(%arg21 : memref<40x128xf32, #tpu.memory_space<vmem>>) dst(%dma_wait3A_76 : memref<40x128xf32, #tpu.memory_space<vmem_shared>>)
        tpu.yield
      }) : () -> ()
    } else {
    }
    %barrier3A = arith.constant 0 : index
    tpu.barrier barrier_id(%barrier3A)
    %add3A_19 = arith.constant 0 : i32
    %add3A_20 = arith.addi %mul3A_2, %add3A_19 : i32
    %dma_start3A = tpu.memref_slice %arg5[%add3A_20] : memref<320000xi32, #tpu.memory_space<hbm>> -> memref<40xi32, #tpu.memory_space<hbm>>
    %dma_start3A_21 = tpu.memref_slice %arg5[%add3A_20] : memref<320000xi32, #tpu.memory_space<hbm>> -> memref<40xi32, #tpu.memory_space<hbm>>
    tpu.enqueue_dma source(%dma_start3A_21 : memref<40xi32, #tpu.memory_space<hbm>>) target(%arg11 : memref<40xi32, #tpu.memory_space<vmem>>) target_semaphore(%arg27 : memref<!tpu.dma_semaphore, #tpu.memory_space<semaphore_mem>>)
    %dma_start3A_22 = tpu.memref_slice %arg6[%add3A_20] : memref<320000xi32, #tpu.memory_space<hbm>> -> memref<40xi32, #tpu.memory_space<hbm>>
    %dma_start3A_23 = tpu.memref_slice %arg6[%add3A_20] : memref<320000xi32, #tpu.memory_space<hbm>> -> memref<40xi32, #tpu.memory_space<hbm>>
    tpu.enqueue_dma source(%dma_start3A_23 : memref<40xi32, #tpu.memory_space<hbm>>) target(%arg12 : memref<40xi32, #tpu.memory_space<vmem>>) target_semaphore(%arg28 : memref<!tpu.dma_semaphore, #tpu.memory_space<semaphore_mem>>)
    %add3A_24 = arith.constant 40 : i32
    %add3A_25 = arith.addi %mul3A_2, %add3A_24 : i32
    %dma_start3A_26 = tpu.memref_slice %arg5[%add3A_25] : memref<320000xi32, #tpu.memory_space<hbm>> -> memref<40xi32, #tpu.memory_space<hbm>>
    %dma_start3A_27 = tpu.memref_slice %arg5[%add3A_25] : memref<320000xi32, #tpu.memory_space<hbm>> -> memref<40xi32, #tpu.memory_space<hbm>>
    tpu.enqueue_dma source(%dma_start3A_27 : memref<40xi32, #tpu.memory_space<hbm>>) target(%arg13 : memref<40xi32, #tpu.memory_space<vmem>>) target_semaphore(%arg29 : memref<!tpu.dma_semaphore, #tpu.memory_space<semaphore_mem>>)
    %dma_start3A_28 = tpu.memref_slice %arg6[%add3A_25] : memref<320000xi32, #tpu.memory_space<hbm>> -> memref<40xi32, #tpu.memory_space<hbm>>
    %dma_start3A_29 = tpu.memref_slice %arg6[%add3A_25] : memref<320000xi32, #tpu.memory_space<hbm>> -> memref<40xi32, #tpu.memory_space<hbm>>
    tpu.enqueue_dma source(%dma_start3A_29 : memref<40xi32, #tpu.memory_space<hbm>>) target(%arg14 : memref<40xi32, #tpu.memory_space<vmem>>) target_semaphore(%arg30 : memref<!tpu.dma_semaphore, #tpu.memory_space<semaphore_mem>>)
    %dma_wait3A = arith.constant 0 : i32
    %dma_wait3A_30 = tpu.memref_slice %arg5[%dma_wait3A] : memref<320000xi32, #tpu.memory_space<hbm>> -> memref<40xi32, #tpu.memory_space<hbm>>
    %dma_wait3A_31 = arith.constant 0 : i32
    %dma_wait3A_32 = tpu.memref_slice %arg5[%dma_wait3A_31] : memref<320000xi32, #tpu.memory_space<hbm>> -> memref<40xi32, #tpu.memory_space<hbm>>
    tpu.wait_dma2 semaphore(%arg27 : memref<!tpu.dma_semaphore, #tpu.memory_space<semaphore_mem>>) src(%dma_wait3A_32 : memref<40xi32, #tpu.memory_space<hbm>>) dst(%arg11 : memref<40xi32, #tpu.memory_space<vmem>>)
    %dma_wait3A_33 = arith.constant 0 : i32
    %dma_wait3A_34 = tpu.memref_slice %arg6[%dma_wait3A_33] : memref<320000xi32, #tpu.memory_space<hbm>> -> memref<40xi32, #tpu.memory_space<hbm>>
    %dma_wait3A_35 = arith.constant 0 : i32
    %dma_wait3A_36 = tpu.memref_slice %arg6[%dma_wait3A_35] : memref<320000xi32, #tpu.memory_space<hbm>> -> memref<40xi32, #tpu.memory_space<hbm>>
    tpu.wait_dma2 semaphore(%arg28 : memref<!tpu.dma_semaphore, #tpu.memory_space<semaphore_mem>>) src(%dma_wait3A_36 : memref<40xi32, #tpu.memory_space<hbm>>) dst(%arg12 : memref<40xi32, #tpu.memory_space<vmem>>)
    %add3A_37 = arith.constant 0 : i32
    %add3A_38 = arith.addi %mul3A_2, %add3A_37 : i32
    %dma_start3A_39 = arith.constant 0 : i32
    %dma_start3A_40 = arith.constant 0 : i32
    %dma_start3A_41 = tpu.memref_slice %arg2[%dma_start3A_39, %dma_start3A_40] : memref<10000x128xf32, #tpu.memory_space<hbm>> -> memref<10000x128xf32, #tpu.memory_space<hbm>>
    tpu.enqueue_indirect_dma source(%dma_start3A_41 : memref<10000x128xf32, #tpu.memory_space<hbm>>) target(%arg19 : memref<40x128xf32, #tpu.memory_space<vmem>>) offsets(%arg11 : memref<40xi32, #tpu.memory_space<vmem>>) semaphore(%arg31 : memref<!tpu.dma_semaphore, #tpu.memory_space<semaphore_mem>>)
    %dma_start3A_42 = arith.constant 0 : i32
    %dma_start3A_43 = arith.constant 0 : i32
    %dma_start3A_44 = tpu.memref_slice %arg3[%dma_start3A_42, %dma_start3A_43] : memref<10000x128xf32, #tpu.memory_space<hbm>> -> memref<10000x128xf32, #tpu.memory_space<hbm>>
    tpu.enqueue_indirect_dma source(%dma_start3A_44 : memref<10000x128xf32, #tpu.memory_space<hbm>>) target(%arg20 : memref<40x128xf32, #tpu.memory_space<vmem>>) offsets(%arg12 : memref<40xi32, #tpu.memory_space<vmem>>) semaphore(%arg32 : memref<!tpu.dma_semaphore, #tpu.memory_space<semaphore_mem>>)
    %dma_start3A_45 = arith.constant 0 : i32
    %dma_start3A_46 = tpu.memref_slice %arg4[%add3A_38, %dma_start3A_45] : memref<320000x128xf32, #tpu.memory_space<hbm>> -> memref<40x128xf32, #tpu.memory_space<hbm>>
    %dma_start3A_47 = arith.constant 0 : i32
    %dma_start3A_48 = tpu.memref_slice %arg4[%add3A_38, %dma_start3A_47] : memref<320000x128xf32, #tpu.memory_space<hbm>> -> memref<40x128xf32, #tpu.memory_space<hbm>>
    tpu.enqueue_dma source(%dma_start3A_48 : memref<40x128xf32, #tpu.memory_space<hbm>>) target(%arg21 : memref<40x128xf32, #tpu.memory_space<vmem>>) target_semaphore(%arg33 : memref<!tpu.dma_semaphore, #tpu.memory_space<semaphore_mem>>)
    %scan3A_49 = arith.constant 0 : i32
    %scan3A_50 = arith.constant 125 : i32
    %scan3A_51 = arith.addi %scan3A_49, %scan3A_50 : i32
    %scan3A_52 = arith.constant 1 : i32
    scf.for %scan3A_65 = %scan3A_49 to %scan3A_51 step %scan3A_52  : i32 {
      %mul3A_66 = arith.constant 1 : i32
      %mul3A_67 = arith.muli %scan3A_65, %mul3A_66 : i32
      %add3A_68 = arith.constant 0 : i32
      %add3A_69 = arith.addi %add3A_68, %mul3A_67 : i32
      %mul3A_70 = arith.constant 2 : i32
      %mul3A_71 = arith.muli %add3A_69, %mul3A_70 : i32
      %dma_wait3A_72 = arith.constant 0 : i32
      %dma_wait3A_73 = tpu.memref_slice %arg5[%dma_wait3A_72] : memref<320000xi32, #tpu.memory_space<hbm>> -> memref<40xi32, #tpu.memory_space<hbm>>
      %dma_wait3A_74 = arith.constant 0 : i32
      %dma_wait3A_75 = tpu.memref_slice %arg5[%dma_wait3A_74] : memref<320000xi32, #tpu.memory_space<hbm>> -> memref<40xi32, #tpu.memory_space<hbm>>
      tpu.wait_dma2 semaphore(%arg29 : memref<!tpu.dma_semaphore, #tpu.memory_space<semaphore_mem>>) src(%dma_wait3A_75 : memref<40xi32, #tpu.memory_space<hbm>>) dst(%arg13 : memref<40xi32, #tpu.memory_space<vmem>>)
      %dma_wait3A_76 = arith.constant 0 : i32
      %dma_wait3A_77 = tpu.memref_slice %arg6[%dma_wait3A_76] : memref<320000xi32, #tpu.memory_space<hbm>> -> memref<40xi32, #tpu.memory_space<hbm>>
      %dma_wait3A_78 = arith.constant 0 : i32
      %dma_wait3A_79 = tpu.memref_slice %arg6[%dma_wait3A_78] : memref<320000xi32, #tpu.memory_space<hbm>> -> memref<40xi32, #tpu.memory_space<hbm>>
      tpu.wait_dma2 semaphore(%arg30 : memref<!tpu.dma_semaphore, #tpu.memory_space<semaphore_mem>>) src(%dma_wait3A_79 : memref<40xi32, #tpu.memory_space<hbm>>) dst(%arg14 : memref<40xi32, #tpu.memory_space<vmem>>)
      %add3A_80 = arith.constant 1 : i32
      %add3A_81 = arith.addi %mul3A_71, %add3A_80 : i32
      %mul3A_82 = arith.constant 40 : i32
      %mul3A_83 = arith.muli %add3A_81, %mul3A_82 : i32
      %add3A_84 = arith.addi %mul3A_2, %mul3A_83 : i32
      %dma_start3A_85 = arith.constant 0 : i32
      %dma_start3A_86 = arith.constant 0 : i32
      %dma_start3A_87 = tpu.memref_slice %arg2[%dma_start3A_85, %dma_start3A_86] : memref<10000x128xf32, #tpu.memory_space<hbm>> -> memref<10000x128xf32, #tpu.memory_space<hbm>>
      tpu.enqueue_indirect_dma source(%dma_start3A_87 : memref<10000x128xf32, #tpu.memory_space<hbm>>) target(%arg23 : memref<40x128xf32, #tpu.memory_space<vmem>>) offsets(%arg13 : memref<40xi32, #tpu.memory_space<vmem>>) semaphore(%arg34 : memref<!tpu.dma_semaphore, #tpu.memory_space<semaphore_mem>>)
      %dma_start3A_88 = arith.constant 0 : i32
      %dma_start3A_89 = arith.constant 0 : i32
      %dma_start3A_90 = tpu.memref_slice %arg3[%dma_start3A_88, %dma_start3A_89] : memref<10000x128xf32, #tpu.memory_space<hbm>> -> memref<10000x128xf32, #tpu.memory_space<hbm>>
      tpu.enqueue_indirect_dma source(%dma_start3A_90 : memref<10000x128xf32, #tpu.memory_space<hbm>>) target(%arg24 : memref<40x128xf32, #tpu.memory_space<vmem>>) offsets(%arg14 : memref<40xi32, #tpu.memory_space<vmem>>) semaphore(%arg35 : memref<!tpu.dma_semaphore, #tpu.memory_space<semaphore_mem>>)
      %dma_start3A_91 = arith.constant 0 : i32
      %dma_start3A_92 = tpu.memref_slice %arg4[%add3A_84, %dma_start3A_91] : memref<320000x128xf32, #tpu.memory_space<hbm>> -> memref<40x128xf32, #tpu.memory_space<hbm>>
      %dma_start3A_93 = arith.constant 0 : i32
      %dma_start3A_94 = tpu.memref_slice %arg4[%add3A_84, %dma_start3A_93] : memref<320000x128xf32, #tpu.memory_space<hbm>> -> memref<40x128xf32, #tpu.memory_space<hbm>>
      tpu.enqueue_dma source(%dma_start3A_94 : memref<40x128xf32, #tpu.memory_space<hbm>>) target(%arg25 : memref<40x128xf32, #tpu.memory_space<vmem>>) target_semaphore(%arg36 : memref<!tpu.dma_semaphore, #tpu.memory_space<semaphore_mem>>)
      %dma_wait3A_95 = arith.constant 0 : i32
      %dma_wait3A_96 = arith.constant 0 : i32
      %dma_wait3A_97 = tpu.memref_slice %arg2[%dma_wait3A_95, %dma_wait3A_96] : memref<10000x128xf32, #tpu.memory_space<hbm>> -> memref<10000x128xf32, #tpu.memory_space<hbm>>
      tpu.wait_indirect_dma semaphore(%arg31 : memref<!tpu.dma_semaphore, #tpu.memory_space<semaphore_mem>>) src(%dma_wait3A_97 : memref<10000x128xf32, #tpu.memory_space<hbm>>) dst(%arg19 : memref<40x128xf32, #tpu.memory_space<vmem>>)
      %dma_wait3A_98 = arith.constant 0 : i32
      %dma_wait3A_99 = arith.constant 0 : i32
      %dma_wait3A_100 = tpu.memref_slice %arg3[%dma_wait3A_98, %dma_wait3A_99] : memref<10000x128xf32, #tpu.memory_space<hbm>> -> memref<10000x128xf32, #tpu.memory_space<hbm>>
      tpu.wait_indirect_dma semaphore(%arg32 : memref<!tpu.dma_semaphore, #tpu.memory_space<semaphore_mem>>) src(%dma_wait3A_100 : memref<10000x128xf32, #tpu.memory_space<hbm>>) dst(%arg20 : memref<40x128xf32, #tpu.memory_space<vmem>>)
      %dma_wait3A_101 = arith.constant 0 : i32
      %dma_wait3A_102 = arith.constant 0 : i32
      %dma_wait3A_103 = tpu.memref_slice %arg4[%dma_wait3A_101, %dma_wait3A_102] : memref<320000x128xf32, #tpu.memory_space<hbm>> -> memref<40x128xf32, #tpu.memory_space<hbm>>
      %dma_wait3A_104 = arith.constant 0 : i32
      %dma_wait3A_105 = arith.constant 0 : i32
      %dma_wait3A_106 = tpu.memref_slice %arg4[%dma_wait3A_104, %dma_wait3A_105] : memref<320000x128xf32, #tpu.memory_space<hbm>> -> memref<40x128xf32, #tpu.memory_space<hbm>>
      tpu.wait_dma2 semaphore(%arg33 : memref<!tpu.dma_semaphore, #tpu.memory_space<semaphore_mem>>) src(%dma_wait3A_106 : memref<40x128xf32, #tpu.memory_space<hbm>>) dst(%arg21 : memref<40x128xf32, #tpu.memory_space<vmem>>)
      %scan3A_107 = arith.constant 0 : i32
      %scan3A_108 = arith.constant 40 : i32
      %scan3A_109 = arith.addi %scan3A_107, %scan3A_108 : i32
      %scan3A_110 = arith.constant 1 : i32
      scf.for %scan3A_278 = %scan3A_107 to %scan3A_109 step %scan3A_110  : i32 {
        %mul3A_279 = arith.constant 1 : i32
        %mul3A_280 = arith.muli %scan3A_278, %mul3A_279 : i32
        %add3A_281 = arith.constant 0 : i32
        %add3A_282 = arith.addi %add3A_281, %mul3A_280 : i32
        %get3A_283 = arith.index_cast %add3A_282 : i32 to index
        %get3A_284 = arith.constant 0 : index
        %get3A_285 = tpu.vector_load %arg19[%get3A_283, %get3A_284] {strides = array<i32>} : memref<40x128xf32, #tpu.memory_space<vmem>>, vector<16xf32>,
        %get3A_286 = arith.index_cast %add3A_282 : i32 to index
        %get3A_287 = arith.constant 0 : index
        %get3A_288 = tpu.vector_load %arg20[%get3A_286, %get3A_287] {strides = array<i32>} : memref<40x128xf32, #tpu.memory_space<vmem>>, vector<16xf32>,
        %add3A_289 = arith.addf %get3A_285, %get3A_288 : vector<16xf32>
        %get3A_290 = arith.index_cast %add3A_282 : i32 to index
        %get3A_291 = arith.constant 0 : index
        %get3A_292 = tpu.vector_load %arg21[%get3A_290, %get3A_291] {strides = array<i32>} : memref<40x128xf32, #tpu.memory_space<vmem>>, vector<16xf32>,
        %add3A_293 = arith.addf %add3A_289, %get3A_292 : vector<16xf32>
        %max3A = arith.constant 0.000000e+00 : f32
        %max3A_294 = vector.broadcast %max3A : f32 to vector<16xf32>
        %max3A_295 = arith.maximumf %add3A_293, %max3A_294 : vector<16xf32>
        %swap3A_296 = arith.index_cast %add3A_282 : i32 to index
        %swap3A_297 = arith.constant 0 : index
        %swap3A_298 = tpu.vector_load %arg21[%swap3A_296, %swap3A_297] {strides = array<i32>} : memref<40x128xf32, #tpu.memory_space<vmem>>, vector<16xf32>,
        tpu.vector_store %arg21[%swap3A_296, %swap3A_297], %max3A_295 {strides = array<i32>} : memref<40x128xf32, #tpu.memory_space<vmem>>, vector<16xf32>,
        %get3A_299 = arith.index_cast %add3A_282 : i32 to index
        %get3A_300 = arith.constant 16 : index
        %get3A_301 = tpu.vector_load %arg19[%get3A_299, %get3A_300] {strides = array<i32>} : memref<40x128xf32, #tpu.memory_space<vmem>>, vector<16xf32>,
        %get3A_302 = arith.index_cast %add3A_282 : i32 to index
        %get3A_303 = arith.constant 16 : index
        %get3A_304 = tpu.vector_load %arg20[%get3A_302, %get3A_303] {strides = array<i32>} : memref<40x128xf32, #tpu.memory_space<vmem>>, vector<16xf32>,
        %add3A_305 = arith.addf %get3A_301, %get3A_304 : vector<16xf32>
        %get3A_306 = arith.index_cast %add3A_282 : i32 to index
        %get3A_307 = arith.constant 16 : index
        %get3A_308 = tpu.vector_load %arg21[%get3A_306, %get3A_307] {strides = array<i32>} : memref<40x128xf32, #tpu.memory_space<vmem>>, vector<16xf32>,
        %add3A_309 = arith.addf %add3A_305, %get3A_308 : vector<16xf32>
        %max3A_310 = arith.constant 0.000000e+00 : f32
        %max3A_311 = vector.broadcast %max3A_310 : f32 to vector<16xf32>
        %max3A_312 = arith.maximumf %add3A_309, %max3A_311 : vector<16xf32>
        %swap3A_313 = arith.index_cast %add3A_282 : i32 to index
        %swap3A_314 = arith.constant 16 : index
        %swap3A_315 = tpu.vector_load %arg21[%swap3A_313, %swap3A_314] {strides = array<i32>} : memref<40x128xf32, #tpu.memory_space<vmem>>, vector<16xf32>,
        tpu.vector_store %arg21[%swap3A_313, %swap3A_314], %max3A_312 {strides = array<i32>} : memref<40x128xf32, #tpu.memory_space<vmem>>, vector<16xf32>,
        %get3A_316 = arith.index_cast %add3A_282 : i32 to index
        %get3A_317 = arith.constant 32 : index
        %get3A_318 = tpu.vector_load %arg19[%get3A_316, %get3A_317] {strides = array<i32>} : memref<40x128xf32, #tpu.memory_space<vmem>>, vector<16xf32>,
        %get3A_319 = arith.index_cast %add3A_282 : i32 to index
        %get3A_320 = arith.constant 32 : index
        %get3A_321 = tpu.vector_load %arg20[%get3A_319, %get3A_320] {strides = array<i32>} : memref<40x128xf32, #tpu.memory_space<vmem>>, vector<16xf32>,
        %add3A_322 = arith.addf %get3A_318, %get3A_321 : vector<16xf32>
        %get3A_323 = arith.index_cast %add3A_282 : i32 to index
        %get3A_324 = arith.constant 32 : index
        %get3A_325 = tpu.vector_load %arg21[%get3A_323, %get3A_324] {strides = array<i32>} : memref<40x128xf32, #tpu.memory_space<vmem>>, vector<16xf32>,
        %add3A_326 = arith.addf %add3A_322, %get3A_325 : vector<16xf32>
        %max3A_327 = arith.constant 0.000000e+00 : f32
        %max3A_328 = vector.broadcast %max3A_327 : f32 to vector<16xf32>
        %max3A_329 = arith.maximumf %add3A_326, %max3A_328 : vector<16xf32>
        %swap3A_330 = arith.index_cast %add3A_282 : i32 to index
        %swap3A_331 = arith.constant 32 : index
        %swap3A_332 = tpu.vector_load %arg21[%swap3A_330, %swap3A_331] {strides = array<i32>} : memref<40x128xf32, #tpu.memory_space<vmem>>, vector<16xf32>,
        tpu.vector_store %arg21[%swap3A_330, %swap3A_331], %max3A_329 {strides = array<i32>} : memref<40x128xf32, #tpu.memory_space<vmem>>, vector<16xf32>,
        %get3A_333 = arith.index_cast %add3A_282 : i32 to index
        %get3A_334 = arith.constant 48 : index
        %get3A_335 = tpu.vector_load %arg19[%get3A_333, %get3A_334] {strides = array<i32>} : memref<40x128xf32, #tpu.memory_space<vmem>>, vector<16xf32>,
        %get3A_336 = arith.index_cast %add3A_282 : i32 to index
        %get3A_337 = arith.constant 48 : index
        %get3A_338 = tpu.vector_load %arg20[%get3A_336, %get3A_337] {strides = array<i32>} : memref<40x128xf32, #tpu.memory_space<vmem>>, vector<16xf32>,
        %add3A_339 = arith.addf %get3A_335, %get3A_338 : vector<16xf32>
        %get3A_340 = arith.index_cast %add3A_282 : i32 to index
        %get3A_341 = arith.constant 48 : index
        %get3A_342 = tpu.vector_load %arg21[%get3A_340, %get3A_341] {strides = array<i32>} : memref<40x128xf32, #tpu.memory_space<vmem>>, vector<16xf32>,
        %add3A_343 = arith.addf %add3A_339, %get3A_342 : vector<16xf32>
        %max3A_344 = arith.constant 0.000000e+00 : f32
        %max3A_345 = vector.broadcast %max3A_344 : f32 to vector<16xf32>
        %max3A_346 = arith.maximumf %add3A_343, %max3A_345 : vector<16xf32>
        %swap3A_347 = arith.index_cast %add3A_282 : i32 to index
        %swap3A_348 = arith.constant 48 : index
        %swap3A_349 = tpu.vector_load %arg21[%swap3A_347, %swap3A_348] {strides = array<i32>} : memref<40x128xf32, #tpu.memory_space<vmem>>, vector<16xf32>,
        tpu.vector_store %arg21[%swap3A_347, %swap3A_348], %max3A_346 {strides = array<i32>} : memref<40x128xf32, #tpu.memory_space<vmem>>, vector<16xf32>,
        %get3A_350 = arith.index_cast %add3A_282 : i32 to index
        %get3A_351 = arith.constant 64 : index
        %get3A_352 = tpu.vector_load %arg19[%get3A_350, %get3A_351] {strides = array<i32>} : memref<40x128xf32, #tpu.memory_space<vmem>>, vector<16xf32>,
        %get3A_353 = arith.index_cast %add3A_282 : i32 to index
        %get3A_354 = arith.constant 64 : index
        %get3A_355 = tpu.vector_load %arg20[%get3A_353, %get3A_354] {strides = array<i32>} : memref<40x128xf32, #tpu.memory_space<vmem>>, vector<16xf32>,
        %add3A_356 = arith.addf %get3A_352, %get3A_355 : vector<16xf32>
        %get3A_357 = arith.index_cast %add3A_282 : i32 to index
        %get3A_358 = arith.constant 64 : index
        %get3A_359 = tpu.vector_load %arg21[%get3A_357, %get3A_358] {strides = array<i32>} : memref<40x128xf32, #tpu.memory_space<vmem>>, vector<16xf32>,
        %add3A_360 = arith.addf %add3A_356, %get3A_359 : vector<16xf32>
        %max3A_361 = arith.constant 0.000000e+00 : f32
        %max3A_362 = vector.broadcast %max3A_361 : f32 to vector<16xf32>
        %max3A_363 = arith.maximumf %add3A_360, %max3A_362 : vector<16xf32>
        %swap3A_364 = arith.index_cast %add3A_282 : i32 to index
        %swap3A_365 = arith.constant 64 : index
        %swap3A_366 = tpu.vector_load %arg21[%swap3A_364, %swap3A_365] {strides = array<i32>} : memref<40x128xf32, #tpu.memory_space<vmem>>, vector<16xf32>,
        tpu.vector_store %arg21[%swap3A_364, %swap3A_365], %max3A_363 {strides = array<i32>} : memref<40x128xf32, #tpu.memory_space<vmem>>, vector<16xf32>,
        %get3A_367 = arith.index_cast %add3A_282 : i32 to index
        %get3A_368 = arith.constant 80 : index
        %get3A_369 = tpu.vector_load %arg19[%get3A_367, %get3A_368] {strides = array<i32>} : memref<40x128xf32, #tpu.memory_space<vmem>>, vector<16xf32>,
        %get3A_370 = arith.index_cast %add3A_282 : i32 to index
        %get3A_371 = arith.constant 80 : index
        %get3A_372 = tpu.vector_load %arg20[%get3A_370, %get3A_371] {strides = array<i32>} : memref<40x128xf32, #tpu.memory_space<vmem>>, vector<16xf32>,
        %add3A_373 = arith.addf %get3A_369, %get3A_372 : vector<16xf32>
        %get3A_374 = arith.index_cast %add3A_282 : i32 to index
        %get3A_375 = arith.constant 80 : index
        %get3A_376 = tpu.vector_load %arg21[%get3A_374, %get3A_375] {strides = array<i32>} : memref<40x128xf32, #tpu.memory_space<vmem>>, vector<16xf32>,
        %add3A_377 = arith.addf %add3A_373, %get3A_376 : vector<16xf32>
        %max3A_378 = arith.constant 0.000000e+00 : f32
        %max3A_379 = vector.broadcast %max3A_378 : f32 to vector<16xf32>
        %max3A_380 = arith.maximumf %add3A_377, %max3A_379 : vector<16xf32>
        %swap3A_381 = arith.index_cast %add3A_282 : i32 to index
        %swap3A_382 = arith.constant 80 : index
        %swap3A_383 = tpu.vector_load %arg21[%swap3A_381, %swap3A_382] {strides = array<i32>} : memref<40x128xf32, #tpu.memory_space<vmem>>, vector<16xf32>,
        tpu.vector_store %arg21[%swap3A_381, %swap3A_382], %max3A_380 {strides = array<i32>} : memref<40x128xf32, #tpu.memory_space<vmem>>, vector<16xf32>,
        %get3A_384 = arith.index_cast %add3A_282 : i32 to index
        %get3A_385 = arith.constant 96 : index
        %get3A_386 = tpu.vector_load %arg19[%get3A_384, %get3A_385] {strides = array<i32>} : memref<40x128xf32, #tpu.memory_space<vmem>>, vector<16xf32>,
        %get3A_387 = arith.index_cast %add3A_282 : i32 to index
        %get3A_388 = arith.constant 96 : index
        %get3A_389 = tpu.vector_load %arg20[%get3A_387, %get3A_388] {strides = array<i32>} : memref<40x128xf32, #tpu.memory_space<vmem>>, vector<16xf32>,
        %add3A_390 = arith.addf %get3A_386, %get3A_389 : vector<16xf32>
        %get3A_391 = arith.index_cast %add3A_282 : i32 to index
        %get3A_392 = arith.constant 96 : index
        %get3A_393 = tpu.vector_load %arg21[%get3A_391, %get3A_392] {strides = array<i32>} : memref<40x128xf32, #tpu.memory_space<vmem>>, vector<16xf32>,
        %add3A_394 = arith.addf %add3A_390, %get3A_393 : vector<16xf32>
        %max3A_395 = arith.constant 0.000000e+00 : f32
        %max3A_396 = vector.broadcast %max3A_395 : f32 to vector<16xf32>
        %max3A_397 = arith.maximumf %add3A_394, %max3A_396 : vector<16xf32>
        %swap3A_398 = arith.index_cast %add3A_282 : i32 to index
        %swap3A_399 = arith.constant 96 : index
        %swap3A_400 = tpu.vector_load %arg21[%swap3A_398, %swap3A_399] {strides = array<i32>} : memref<40x128xf32, #tpu.memory_space<vmem>>, vector<16xf32>,
        tpu.vector_store %arg21[%swap3A_398, %swap3A_399], %max3A_397 {strides = array<i32>} : memref<40x128xf32, #tpu.memory_space<vmem>>, vector<16xf32>,
        %get3A_401 = arith.index_cast %add3A_282 : i32 to index
        %get3A_402 = arith.constant 112 : index
        %get3A_403 = tpu.vector_load %arg19[%get3A_401, %get3A_402] {strides = array<i32>} : memref<40x128xf32, #tpu.memory_space<vmem>>, vector<16xf32>,
        %get3A_404 = arith.index_cast %add3A_282 : i32 to index
        %get3A_405 = arith.constant 112 : index
        %get3A_406 = tpu.vector_load %arg20[%get3A_404, %get3A_405] {strides = array<i32>} : memref<40x128xf32, #tpu.memory_space<vmem>>, vector<16xf32>,
        %add3A_407 = arith.addf %get3A_403, %get3A_406 : vector<16xf32>
        %get3A_408 = arith.index_cast %add3A_282 : i32 to index
        %get3A_409 = arith.constant 112 : index
        %get3A_410 = tpu.vector_load %arg21[%get3A_408, %get3A_409] {strides = array<i32>} : memref<40x128xf32, #tpu.memory_space<vmem>>, vector<16xf32>,
        %add3A_411 = arith.addf %add3A_407, %get3A_410 : vector<16xf32>
        %max3A_412 = arith.constant 0.000000e+00 : f32
        %max3A_413 = vector.broadcast %max3A_412 : f32 to vector<16xf32>
        %max3A_414 = arith.maximumf %add3A_411, %max3A_413 : vector<16xf32>
        %swap3A_415 = arith.index_cast %add3A_282 : i32 to index
        %swap3A_416 = arith.constant 112 : index
        %swap3A_417 = tpu.vector_load %arg21[%swap3A_415, %swap3A_416] {strides = array<i32>} : memref<40x128xf32, #tpu.memory_space<vmem>>, vector<16xf32>,
        tpu.vector_store %arg21[%swap3A_415, %swap3A_416], %max3A_414 {strides = array<i32>} : memref<40x128xf32, #tpu.memory_space<vmem>>, vector<16xf32>,
      }
      %scan3A_111 = arith.constant 40 : i32
      %dma_start3A_112 = arith.constant 0 : i32
      %dma_start3A_113 = arith.constant 0 : i32
      %dma_start3A_114 = tpu.memref_slice %arg9[%dma_start3A_112, %dma_start3A_113] : memref<10000x128xf32, #tpu.memory_space<vmem_shared>> -> memref<10000x128xf32, #tpu.memory_space<vmem_shared>>
      tpu.enqueue_indirect_dma source(%arg21 : memref<40x128xf32, #tpu.memory_space<vmem>>) target(%dma_start3A_114 : memref<10000x128xf32, #tpu.memory_space<vmem_shared>>) offsets(%arg12 : memref<40xi32, #tpu.memory_space<vmem>>) semaphore(%arg37 : memref<!tpu.dma_semaphore, #tpu.memory_space<semaphore_mem>>) {add = true}
      %get3A = arith.constant 0 : index
      %get3A_115 = tpu.vector_load %arg12[%get3A] {strides = array<i32>} : memref<40xi32, #tpu.memory_space<vmem>>, vector<16xi32>,
      %add3A_116 = arith.constant 0 : i32
      %add3A_117 = vector.broadcast %add3A_116 : i32 to vector<16xi32>
      %add3A_118 = arith.addi %iota3A, %add3A_117 : vector<16xi32>
      %and3A = arith.constant 127 : i32
      %and3A_119 = vector.broadcast %and3A : i32 to vector<16xi32>
      %and3A_120 = arith.andi %get3A_115, %and3A_119 : vector<16xi32>
      %swap3A = arith.constant 0 : index
      %swap3A_121 = tpu.vector_load %arg17[%swap3A] {strides = array<i32>} : memref<40xi32, #tpu.memory_space<vmem>>, vector<16xi32>,
      tpu.vector_store %arg17[%swap3A], %and3A_120 {strides = array<i32>} : memref<40xi32, #tpu.memory_space<vmem>>, vector<16xi32>,
      %shift_right_logical3A = arith.constant 7 : i32
      %shift_right_logical3A_122 = vector.broadcast %shift_right_logical3A : i32 to vector<16xi32>
      %shift_right_logical3A_123 = arith.shrui %get3A_115, %shift_right_logical3A_122 : vector<16xi32>
      %swap3A_124 = arith.constant 0 : index
      %swap3A_125 = tpu.vector_load %arg15[%swap3A_124] {strides = array<i32>} : memref<40xi32, #tpu.memory_space<vmem>>, vector<16xi32>,
      tpu.vector_store %arg15[%swap3A_124], %shift_right_logical3A_123 {strides = array<i32>} : memref<40xi32, #tpu.memory_space<vmem>>, vector<16xi32>,
      tpu.vector_store_idx %arg22[%add3A_118, %and3A_120], %broadcast_in_dim3A_5 : memref<40x128xf32, #tpu.memory_space<vmem>>[vector<16xi32>, vector<16xi32>], vector<16xf32>,
      %get3A_126 = arith.constant 16 : index
      %get3A_127 = tpu.vector_load %arg12[%get3A_126] {strides = array<i32>} : memref<40xi32, #tpu.memory_space<vmem>>, vector<16xi32>,
      %add3A_128 = arith.constant 16 : i32
      %add3A_129 = vector.broadcast %add3A_128 : i32 to vector<16xi32>
      %add3A_130 = arith.addi %iota3A, %add3A_129 : vector<16xi32>
      %and3A_131 = arith.constant 127 : i32
      %and3A_132 = vector.broadcast %and3A_131 : i32 to vector<16xi32>
      %and3A_133 = arith.andi %get3A_127, %and3A_132 : vector<16xi32>
      %swap3A_134 = arith.constant 16 : index
      %swap3A_135 = tpu.vector_load %arg17[%swap3A_134] {strides = array<i32>} : memref<40xi32, #tpu.memory_space<vmem>>, vector<16xi32>,
      tpu.vector_store %arg17[%swap3A_134], %and3A_133 {strides = array<i32>} : memref<40xi32, #tpu.memory_space<vmem>>, vector<16xi32>,
      %shift_right_logical3A_136 = arith.constant 7 : i32
      %shift_right_logical3A_137 = vector.broadcast %shift_right_logical3A_136 : i32 to vector<16xi32>
      %shift_right_logical3A_138 = arith.shrui %get3A_127, %shift_right_logical3A_137 : vector<16xi32>
      %swap3A_139 = arith.constant 16 : index
      %swap3A_140 = tpu.vector_load %arg15[%swap3A_139] {strides = array<i32>} : memref<40xi32, #tpu.memory_space<vmem>>, vector<16xi32>,
      tpu.vector_store %arg15[%swap3A_139], %shift_right_logical3A_138 {strides = array<i32>} : memref<40xi32, #tpu.memory_space<vmem>>, vector<16xi32>,
      tpu.vector_store_idx %arg22[%add3A_130, %and3A_133], %broadcast_in_dim3A_5 : memref<40x128xf32, #tpu.memory_space<vmem>>[vector<16xi32>, vector<16xi32>], vector<16xf32>,
      %get3A_141 = arith.constant 24 : index
      %get3A_142 = tpu.vector_load %arg12[%get3A_141] {strides = array<i32>} : memref<40xi32, #tpu.memory_space<vmem>>, vector<16xi32>,
      %add3A_143 = arith.constant 24 : i32
      %add3A_144 = vector.broadcast %add3A_143 : i32 to vector<16xi32>
      %add3A_145 = arith.addi %iota3A, %add3A_144 : vector<16xi32>
      %and3A_146 = arith.constant 127 : i32
      %and3A_147 = vector.broadcast %and3A_146 : i32 to vector<16xi32>
      %and3A_148 = arith.andi %get3A_142, %and3A_147 : vector<16xi32>
      %swap3A_149 = arith.constant 24 : index
      %swap3A_150 = tpu.vector_load %arg17[%swap3A_149] {strides = array<i32>} : memref<40xi32, #tpu.memory_space<vmem>>, vector<16xi32>,
      tpu.vector_store %arg17[%swap3A_149], %and3A_148 {strides = array<i32>} : memref<40xi32, #tpu.memory_space<vmem>>, vector<16xi32>,
      %shift_right_logical3A_151 = arith.constant 7 : i32
      %shift_right_logical3A_152 = vector.broadcast %shift_right_logical3A_151 : i32 to vector<16xi32>
      %shift_right_logical3A_153 = arith.shrui %get3A_142, %shift_right_logical3A_152 : vector<16xi32>
      %swap3A_154 = arith.constant 24 : index
      %swap3A_155 = tpu.vector_load %arg15[%swap3A_154] {strides = array<i32>} : memref<40xi32, #tpu.memory_space<vmem>>, vector<16xi32>,
      tpu.vector_store %arg15[%swap3A_154], %shift_right_logical3A_153 {strides = array<i32>} : memref<40xi32, #tpu.memory_space<vmem>>, vector<16xi32>,
      tpu.vector_store_idx %arg22[%add3A_145, %and3A_148], %broadcast_in_dim3A_5 masked %ge3A_7 : memref<40x128xf32, #tpu.memory_space<vmem>>[vector<16xi32>, vector<16xi32>], vector<16xf32>, vector<16xi1>
      %dma_start3A_156 = arith.constant 0 : i32
      %dma_start3A_157 = arith.constant 0 : i32
      %dma_start3A_158 = tpu.memref_slice %arg10[%dma_start3A_156, %dma_start3A_157] : memref<80x128xf32, #tpu.memory_space<vmem_shared>> -> memref<80x128xf32, #tpu.memory_space<vmem_shared>>
      tpu.enqueue_indirect_dma source(%arg22 : memref<40x128xf32, #tpu.memory_space<vmem>>) target(%dma_start3A_158 : memref<80x128xf32, #tpu.memory_space<vmem_shared>>) offsets(%arg15 : memref<40xi32, #tpu.memory_space<vmem>>) semaphore(%arg39 : memref<!tpu.dma_semaphore, #tpu.memory_space<semaphore_mem>>) {add = true}
      %dma_wait3A_159 = arith.constant 0 : i32
      %dma_wait3A_160 = arith.constant 0 : i32
      %dma_wait3A_161 = tpu.memref_slice %arg2[%dma_wait3A_159, %dma_wait3A_160] : memref<10000x128xf32, #tpu.memory_space<hbm>> -> memref<10000x128xf32, #tpu.memory_space<hbm>>
      tpu.wait_indirect_dma semaphore(%arg34 : memref<!tpu.dma_semaphore, #tpu.memory_space<semaphore_mem>>) src(%dma_wait3A_161 : memref<10000x128xf32, #tpu.memory_space<hbm>>) dst(%arg23 : memref<40x128xf32, #tpu.memory_space<vmem>>)
      %dma_wait3A_162 = arith.constant 0 : i32
      %dma_wait3A_163 = arith.constant 0 : i32
      %dma_wait3A_164 = tpu.memref_slice %arg3[%dma_wait3A_162, %dma_wait3A_163] : memref<10000x128xf32, #tpu.memory_space<hbm>> -> memref<10000x128xf32, #tpu.memory_space<hbm>>
      tpu.wait_indirect_dma semaphore(%arg35 : memref<!tpu.dma_semaphore, #tpu.memory_space<semaphore_mem>>) src(%dma_wait3A_164 : memref<10000x128xf32, #tpu.memory_space<hbm>>) dst(%arg24 : memref<40x128xf32, #tpu.memory_space<vmem>>)
      %dma_wait3A_165 = arith.constant 0 : i32
      %dma_wait3A_166 = arith.constant 0 : i32
      %dma_wait3A_167 = tpu.memref_slice %arg4[%dma_wait3A_165, %dma_wait3A_166] : memref<320000x128xf32, #tpu.memory_space<hbm>> -> memref<40x128xf32, #tpu.memory_space<hbm>>
      %dma_wait3A_168 = arith.constant 0 : i32
      %dma_wait3A_169 = arith.constant 0 : i32
      %dma_wait3A_170 = tpu.memref_slice %arg4[%dma_wait3A_168, %dma_wait3A_169] : memref<320000x128xf32, #tpu.memory_space<hbm>> -> memref<40x128xf32, #tpu.memory_space<hbm>>
      tpu.wait_dma2 semaphore(%arg36 : memref<!tpu.dma_semaphore, #tpu.memory_space<semaphore_mem>>) src(%dma_wait3A_170 : memref<40x128xf32, #tpu.memory_space<hbm>>) dst(%arg25 : memref<40x128xf32, #tpu.memory_space<vmem>>)
      %scan3A_171 = arith.constant 0 : i32
      %scan3A_172 = arith.constant 40 : i32
      %scan3A_173 = arith.addi %scan3A_171, %scan3A_172 : i32
      %scan3A_174 = arith.constant 1 : i32
      scf.for %scan3A_278 = %scan3A_171 to %scan3A_173 step %scan3A_174  : i32 {
        %mul3A_279 = arith.constant 1 : i32
        %mul3A_280 = arith.muli %scan3A_278, %mul3A_279 : i32
        %add3A_281 = arith.constant 0 : i32
        %add3A_282 = arith.addi %add3A_281, %mul3A_280 : i32
        %get3A_283 = arith.index_cast %add3A_282 : i32 to index
        %get3A_284 = arith.constant 0 : index
        %get3A_285 = tpu.vector_load %arg23[%get3A_283, %get3A_284] {strides = array<i32>} : memref<40x128xf32, #tpu.memory_space<vmem>>, vector<16xf32>,
        %get3A_286 = arith.index_cast %add3A_282 : i32 to index
        %get3A_287 = arith.constant 0 : index
        %get3A_288 = tpu.vector_load %arg24[%get3A_286, %get3A_287] {strides = array<i32>} : memref<40x128xf32, #tpu.memory_space<vmem>>, vector<16xf32>,
        %add3A_289 = arith.addf %get3A_285, %get3A_288 : vector<16xf32>
        %get3A_290 = arith.index_cast %add3A_282 : i32 to index
        %get3A_291 = arith.constant 0 : index
        %get3A_292 = tpu.vector_load %arg25[%get3A_290, %get3A_291] {strides = array<i32>} : memref<40x128xf32, #tpu.memory_space<vmem>>, vector<16xf32>,
        %add3A_293 = arith.addf %add3A_289, %get3A_292 : vector<16xf32>
        %max3A = arith.constant 0.000000e+00 : f32
        %max3A_294 = vector.broadcast %max3A : f32 to vector<16xf32>
        %max3A_295 = arith.maximumf %add3A_293, %max3A_294 : vector<16xf32>
        %swap3A_296 = arith.index_cast %add3A_282 : i32 to index
        %swap3A_297 = arith.constant 0 : index
        %swap3A_298 = tpu.vector_load %arg25[%swap3A_296, %swap3A_297] {strides = array<i32>} : memref<40x128xf32, #tpu.memory_space<vmem>>, vector<16xf32>,
        tpu.vector_store %arg25[%swap3A_296, %swap3A_297], %max3A_295 {strides = array<i32>} : memref<40x128xf32, #tpu.memory_space<vmem>>, vector<16xf32>,
        %get3A_299 = arith.index_cast %add3A_282 : i32 to index
        %get3A_300 = arith.constant 16 : index
        %get3A_301 = tpu.vector_load %arg23[%get3A_299, %get3A_300] {strides = array<i32>} : memref<40x128xf32, #tpu.memory_space<vmem>>, vector<16xf32>,
        %get3A_302 = arith.index_cast %add3A_282 : i32 to index
        %get3A_303 = arith.constant 16 : index
        %get3A_304 = tpu.vector_load %arg24[%get3A_302, %get3A_303] {strides = array<i32>} : memref<40x128xf32, #tpu.memory_space<vmem>>, vector<16xf32>,
        %add3A_305 = arith.addf %get3A_301, %get3A_304 : vector<16xf32>
        %get3A_306 = arith.index_cast %add3A_282 : i32 to index
        %get3A_307 = arith.constant 16 : index
        %get3A_308 = tpu.vector_load %arg25[%get3A_306, %get3A_307] {strides = array<i32>} : memref<40x128xf32, #tpu.memory_space<vmem>>, vector<16xf32>,
        %add3A_309 = arith.addf %add3A_305, %get3A_308 : vector<16xf32>
        %max3A_310 = arith.constant 0.000000e+00 : f32
        %max3A_311 = vector.broadcast %max3A_310 : f32 to vector<16xf32>
        %max3A_312 = arith.maximumf %add3A_309, %max3A_311 : vector<16xf32>
        %swap3A_313 = arith.index_cast %add3A_282 : i32 to index
        %swap3A_314 = arith.constant 16 : index
        %swap3A_315 = tpu.vector_load %arg25[%swap3A_313, %swap3A_314] {strides = array<i32>} : memref<40x128xf32, #tpu.memory_space<vmem>>, vector<16xf32>,
        tpu.vector_store %arg25[%swap3A_313, %swap3A_314], %max3A_312 {strides = array<i32>} : memref<40x128xf32, #tpu.memory_space<vmem>>, vector<16xf32>,
        %get3A_316 = arith.index_cast %add3A_282 : i32 to index
        %get3A_317 = arith.constant 32 : index
        %get3A_318 = tpu.vector_load %arg23[%get3A_316, %get3A_317] {strides = array<i32>} : memref<40x128xf32, #tpu.memory_space<vmem>>, vector<16xf32>,
        %get3A_319 = arith.index_cast %add3A_282 : i32 to index
        %get3A_320 = arith.constant 32 : index
        %get3A_321 = tpu.vector_load %arg24[%get3A_319, %get3A_320] {strides = array<i32>} : memref<40x128xf32, #tpu.memory_space<vmem>>, vector<16xf32>,
        %add3A_322 = arith.addf %get3A_318, %get3A_321 : vector<16xf32>
        %get3A_323 = arith.index_cast %add3A_282 : i32 to index
        %get3A_324 = arith.constant 32 : index
        %get3A_325 = tpu.vector_load %arg25[%get3A_323, %get3A_324] {strides = array<i32>} : memref<40x128xf32, #tpu.memory_space<vmem>>, vector<16xf32>,
        %add3A_326 = arith.addf %add3A_322, %get3A_325 : vector<16xf32>
        %max3A_327 = arith.constant 0.000000e+00 : f32
        %max3A_328 = vector.broadcast %max3A_327 : f32 to vector<16xf32>
        %max3A_329 = arith.maximumf %add3A_326, %max3A_328 : vector<16xf32>
        %swap3A_330 = arith.index_cast %add3A_282 : i32 to index
        %swap3A_331 = arith.constant 32 : index
        %swap3A_332 = tpu.vector_load %arg25[%swap3A_330, %swap3A_331] {strides = array<i32>} : memref<40x128xf32, #tpu.memory_space<vmem>>, vector<16xf32>,
        tpu.vector_store %arg25[%swap3A_330, %swap3A_331], %max3A_329 {strides = array<i32>} : memref<40x128xf32, #tpu.memory_space<vmem>>, vector<16xf32>,
        %get3A_333 = arith.index_cast %add3A_282 : i32 to index
        %get3A_334 = arith.constant 48 : index
        %get3A_335 = tpu.vector_load %arg23[%get3A_333, %get3A_334] {strides = array<i32>} : memref<40x128xf32, #tpu.memory_space<vmem>>, vector<16xf32>,
        %get3A_336 = arith.index_cast %add3A_282 : i32 to index
        %get3A_337 = arith.constant 48 : index
        %get3A_338 = tpu.vector_load %arg24[%get3A_336, %get3A_337] {strides = array<i32>} : memref<40x128xf32, #tpu.memory_space<vmem>>, vector<16xf32>,
        %add3A_339 = arith.addf %get3A_335, %get3A_338 : vector<16xf32>
        %get3A_340 = arith.index_cast %add3A_282 : i32 to index
        %get3A_341 = arith.constant 48 : index
        %get3A_342 = tpu.vector_load %arg25[%get3A_340, %get3A_341] {strides = array<i32>} : memref<40x128xf32, #tpu.memory_space<vmem>>, vector<16xf32>,
        %add3A_343 = arith.addf %add3A_339, %get3A_342 : vector<16xf32>
        %max3A_344 = arith.constant 0.000000e+00 : f32
        %max3A_345 = vector.broadcast %max3A_344 : f32 to vector<16xf32>
        %max3A_346 = arith.maximumf %add3A_343, %max3A_345 : vector<16xf32>
        %swap3A_347 = arith.index_cast %add3A_282 : i32 to index
        %swap3A_348 = arith.constant 48 : index
        %swap3A_349 = tpu.vector_load %arg25[%swap3A_347, %swap3A_348] {strides = array<i32>} : memref<40x128xf32, #tpu.memory_space<vmem>>, vector<16xf32>,
        tpu.vector_store %arg25[%swap3A_347, %swap3A_348], %max3A_346 {strides = array<i32>} : memref<40x128xf32, #tpu.memory_space<vmem>>, vector<16xf32>,
        %get3A_350 = arith.index_cast %add3A_282 : i32 to index
        %get3A_351 = arith.constant 64 : index
        %get3A_352 = tpu.vector_load %arg23[%get3A_350, %get3A_351] {strides = array<i32>} : memref<40x128xf32, #tpu.memory_space<vmem>>, vector<16xf32>,
        %get3A_353 = arith.index_cast %add3A_282 : i32 to index
        %get3A_354 = arith.constant 64 : index
        %get3A_355 = tpu.vector_load %arg24[%get3A_353, %get3A_354] {strides = array<i32>} : memref<40x128xf32, #tpu.memory_space<vmem>>, vector<16xf32>,
        %add3A_356 = arith.addf %get3A_352, %get3A_355 : vector<16xf32>
        %get3A_357 = arith.index_cast %add3A_282 : i32 to index
        %get3A_358 = arith.constant 64 : index
        %get3A_359 = tpu.vector_load %arg25[%get3A_357, %get3A_358] {strides = array<i32>} : memref<40x128xf32, #tpu.memory_space<vmem>>, vector<16xf32>,
        %add3A_360 = arith.addf %add3A_356, %get3A_359 : vector<16xf32>
        %max3A_361 = arith.constant 0.000000e+00 : f32
        %max3A_362 = vector.broadcast %max3A_361 : f32 to vector<16xf32>
        %max3A_363 = arith.maximumf %add3A_360, %max3A_362 : vector<16xf32>
        %swap3A_364 = arith.index_cast %add3A_282 : i32 to index
        %swap3A_365 = arith.constant 64 : index
        %swap3A_366 = tpu.vector_load %arg25[%swap3A_364, %swap3A_365] {strides = array<i32>} : memref<40x128xf32, #tpu.memory_space<vmem>>, vector<16xf32>,
        tpu.vector_store %arg25[%swap3A_364, %swap3A_365], %max3A_363 {strides = array<i32>} : memref<40x128xf32, #tpu.memory_space<vmem>>, vector<16xf32>,
        %get3A_367 = arith.index_cast %add3A_282 : i32 to index
        %get3A_368 = arith.constant 80 : index
        %get3A_369 = tpu.vector_load %arg23[%get3A_367, %get3A_368] {strides = array<i32>} : memref<40x128xf32, #tpu.memory_space<vmem>>, vector<16xf32>,
        %get3A_370 = arith.index_cast %add3A_282 : i32 to index
        %get3A_371 = arith.constant 80 : index
        %get3A_372 = tpu.vector_load %arg24[%get3A_370, %get3A_371] {strides = array<i32>} : memref<40x128xf32, #tpu.memory_space<vmem>>, vector<16xf32>,
        %add3A_373 = arith.addf %get3A_369, %get3A_372 : vector<16xf32>
        %get3A_374 = arith.index_cast %add3A_282 : i32 to index
        %get3A_375 = arith.constant 80 : index
        %get3A_376 = tpu.vector_load %arg25[%get3A_374, %get3A_375] {strides = array<i32>} : memref<40x128xf32, #tpu.memory_space<vmem>>, vector<16xf32>,
        %add3A_377 = arith.addf %add3A_373, %get3A_376 : vector<16xf32>
        %max3A_378 = arith.constant 0.000000e+00 : f32
        %max3A_379 = vector.broadcast %max3A_378 : f32 to vector<16xf32>
        %max3A_380 = arith.maximumf %add3A_377, %max3A_379 : vector<16xf32>
        %swap3A_381 = arith.index_cast %add3A_282 : i32 to index
        %swap3A_382 = arith.constant 80 : index
        %swap3A_383 = tpu.vector_load %arg25[%swap3A_381, %swap3A_382] {strides = array<i32>} : memref<40x128xf32, #tpu.memory_space<vmem>>, vector<16xf32>,
        tpu.vector_store %arg25[%swap3A_381, %swap3A_382], %max3A_380 {strides = array<i32>} : memref<40x128xf32, #tpu.memory_space<vmem>>, vector<16xf32>,
        %get3A_384 = arith.index_cast %add3A_282 : i32 to index
        %get3A_385 = arith.constant 96 : index
        %get3A_386 = tpu.vector_load %arg23[%get3A_384, %get3A_385] {strides = array<i32>} : memref<40x128xf32, #tpu.memory_space<vmem>>, vector<16xf32>,
        %get3A_387 = arith.index_cast %add3A_282 : i32 to index
        %get3A_388 = arith.constant 96 : index
        %get3A_389 = tpu.vector_load %arg24[%get3A_387, %get3A_388] {strides = array<i32>} : memref<40x128xf32, #tpu.memory_space<vmem>>, vector<16xf32>,
        %add3A_390 = arith.addf %get3A_386, %get3A_389 : vector<16xf32>
        %get3A_391 = arith.index_cast %add3A_282 : i32 to index
        %get3A_392 = arith.constant 96 : index
        %get3A_393 = tpu.vector_load %arg25[%get3A_391, %get3A_392] {strides = array<i32>} : memref<40x128xf32, #tpu.memory_space<vmem>>, vector<16xf32>,
        %add3A_394 = arith.addf %add3A_390, %get3A_393 : vector<16xf32>
        %max3A_395 = arith.constant 0.000000e+00 : f32
        %max3A_396 = vector.broadcast %max3A_395 : f32 to vector<16xf32>
        %max3A_397 = arith.maximumf %add3A_394, %max3A_396 : vector<16xf32>
        %swap3A_398 = arith.index_cast %add3A_282 : i32 to index
        %swap3A_399 = arith.constant 96 : index
        %swap3A_400 = tpu.vector_load %arg25[%swap3A_398, %swap3A_399] {strides = array<i32>} : memref<40x128xf32, #tpu.memory_space<vmem>>, vector<16xf32>,
        tpu.vector_store %arg25[%swap3A_398, %swap3A_399], %max3A_397 {strides = array<i32>} : memref<40x128xf32, #tpu.memory_space<vmem>>, vector<16xf32>,
        %get3A_401 = arith.index_cast %add3A_282 : i32 to index
        %get3A_402 = arith.constant 112 : index
        %get3A_403 = tpu.vector_load %arg23[%get3A_401, %get3A_402] {strides = array<i32>} : memref<40x128xf32, #tpu.memory_space<vmem>>, vector<16xf32>,
        %get3A_404 = arith.index_cast %add3A_282 : i32 to index
        %get3A_405 = arith.constant 112 : index
        %get3A_406 = tpu.vector_load %arg24[%get3A_404, %get3A_405] {strides = array<i32>} : memref<40x128xf32, #tpu.memory_space<vmem>>, vector<16xf32>,
        %add3A_407 = arith.addf %get3A_403, %get3A_406 : vector<16xf32>
        %get3A_408 = arith.index_cast %add3A_282 : i32 to index
        %get3A_409 = arith.constant 112 : index
        %get3A_410 = tpu.vector_load %arg25[%get3A_408, %get3A_409] {strides = array<i32>} : memref<40x128xf32, #tpu.memory_space<vmem>>, vector<16xf32>,
        %add3A_411 = arith.addf %add3A_407, %get3A_410 : vector<16xf32>
        %max3A_412 = arith.constant 0.000000e+00 : f32
        %max3A_413 = vector.broadcast %max3A_412 : f32 to vector<16xf32>
        %max3A_414 = arith.maximumf %add3A_411, %max3A_413 : vector<16xf32>
        %swap3A_415 = arith.index_cast %add3A_282 : i32 to index
        %swap3A_416 = arith.constant 112 : index
        %swap3A_417 = tpu.vector_load %arg25[%swap3A_415, %swap3A_416] {strides = array<i32>} : memref<40x128xf32, #tpu.memory_space<vmem>>, vector<16xf32>,
        tpu.vector_store %arg25[%swap3A_415, %swap3A_416], %max3A_414 {strides = array<i32>} : memref<40x128xf32, #tpu.memory_space<vmem>>, vector<16xf32>,
      }
      %scan3A_175 = arith.constant 40 : i32
      %dma_start3A_176 = arith.constant 0 : i32
      %dma_start3A_177 = arith.constant 0 : i32
      %dma_start3A_178 = tpu.memref_slice %arg9[%dma_start3A_176, %dma_start3A_177] : memref<10000x128xf32, #tpu.memory_space<vmem_shared>> -> memref<10000x128xf32, #tpu.memory_space<vmem_shared>>
      tpu.enqueue_indirect_dma source(%arg25 : memref<40x128xf32, #tpu.memory_space<vmem>>) target(%dma_start3A_178 : memref<10000x128xf32, #tpu.memory_space<vmem_shared>>) offsets(%arg14 : memref<40xi32, #tpu.memory_space<vmem>>) semaphore(%arg38 : memref<!tpu.dma_semaphore, #tpu.memory_space<semaphore_mem>>) {add = true}
      %get3A_179 = arith.constant 0 : index
      %get3A_180 = tpu.vector_load %arg14[%get3A_179] {strides = array<i32>} : memref<40xi32, #tpu.memory_space<vmem>>, vector<16xi32>,
      %add3A_181 = arith.constant 0 : i32
      %add3A_182 = vector.broadcast %add3A_181 : i32 to vector<16xi32>
      %add3A_183 = arith.addi %iota3A, %add3A_182 : vector<16xi32>
      %and3A_184 = arith.constant 127 : i32
      %and3A_185 = vector.broadcast %and3A_184 : i32 to vector<16xi32>
      %and3A_186 = arith.andi %get3A_180, %and3A_185 : vector<16xi32>
      %swap3A_187 = arith.constant 0 : index
      %swap3A_188 = tpu.vector_load %arg18[%swap3A_187] {strides = array<i32>} : memref<40xi32, #tpu.memory_space<vmem>>, vector<16xi32>,
      tpu.vector_store %arg18[%swap3A_187], %and3A_186 {strides = array<i32>} : memref<40xi32, #tpu.memory_space<vmem>>, vector<16xi32>,
      %shift_right_logical3A_189 = arith.constant 7 : i32
      %shift_right_logical3A_190 = vector.broadcast %shift_right_logical3A_189 : i32 to vector<16xi32>
      %shift_right_logical3A_191 = arith.shrui %get3A_180, %shift_right_logical3A_190 : vector<16xi32>
      %swap3A_192 = arith.constant 0 : index
      %swap3A_193 = tpu.vector_load %arg16[%swap3A_192] {strides = array<i32>} : memref<40xi32, #tpu.memory_space<vmem>>, vector<16xi32>,
      tpu.vector_store %arg16[%swap3A_192], %shift_right_logical3A_191 {strides = array<i32>} : memref<40xi32, #tpu.memory_space<vmem>>, vector<16xi32>,
      tpu.vector_store_idx %arg26[%add3A_183, %and3A_186], %broadcast_in_dim3A_5 : memref<40x128xf32, #tpu.memory_space<vmem>>[vector<16xi32>, vector<16xi32>], vector<16xf32>,
      %get3A_194 = arith.constant 16 : index
      %get3A_195 = tpu.vector_load %arg14[%get3A_194] {strides = array<i32>} : memref<40xi32, #tpu.memory_space<vmem>>, vector<16xi32>,
      %add3A_196 = arith.constant 16 : i32
      %add3A_197 = vector.broadcast %add3A_196 : i32 to vector<16xi32>
      %add3A_198 = arith.addi %iota3A, %add3A_197 : vector<16xi32>
      %and3A_199 = arith.constant 127 : i32
      %and3A_200 = vector.broadcast %and3A_199 : i32 to vector<16xi32>
      %and3A_201 = arith.andi %get3A_195, %and3A_200 : vector<16xi32>
      %swap3A_202 = arith.constant 16 : index
      %swap3A_203 = tpu.vector_load %arg18[%swap3A_202] {strides = array<i32>} : memref<40xi32, #tpu.memory_space<vmem>>, vector<16xi32>,
      tpu.vector_store %arg18[%swap3A_202], %and3A_201 {strides = array<i32>} : memref<40xi32, #tpu.memory_space<vmem>>, vector<16xi32>,
      %shift_right_logical3A_204 = arith.constant 7 : i32
      %shift_right_logical3A_205 = vector.broadcast %shift_right_logical3A_204 : i32 to vector<16xi32>
      %shift_right_logical3A_206 = arith.shrui %get3A_195, %shift_right_logical3A_205 : vector<16xi32>
      %swap3A_207 = arith.constant 16 : index
      %swap3A_208 = tpu.vector_load %arg16[%swap3A_207] {strides = array<i32>} : memref<40xi32, #tpu.memory_space<vmem>>, vector<16xi32>,
      tpu.vector_store %arg16[%swap3A_207], %shift_right_logical3A_206 {strides = array<i32>} : memref<40xi32, #tpu.memory_space<vmem>>, vector<16xi32>,
      tpu.vector_store_idx %arg26[%add3A_198, %and3A_201], %broadcast_in_dim3A_5 : memref<40x128xf32, #tpu.memory_space<vmem>>[vector<16xi32>, vector<16xi32>], vector<16xf32>,
      %get3A_209 = arith.constant 24 : index
      %get3A_210 = tpu.vector_load %arg14[%get3A_209] {strides = array<i32>} : memref<40xi32, #tpu.memory_space<vmem>>, vector<16xi32>,
      %add3A_211 = arith.constant 24 : i32
      %add3A_212 = vector.broadcast %add3A_211 : i32 to vector<16xi32>
      %add3A_213 = arith.addi %iota3A, %add3A_212 : vector<16xi32>
      %and3A_214 = arith.constant 127 : i32
      %and3A_215 = vector.broadcast %and3A_214 : i32 to vector<16xi32>
      %and3A_216 = arith.andi %get3A_210, %and3A_215 : vector<16xi32>
      %swap3A_217 = arith.constant 24 : index
      %swap3A_218 = tpu.vector_load %arg18[%swap3A_217] {strides = array<i32>} : memref<40xi32, #tpu.memory_space<vmem>>, vector<16xi32>,
      tpu.vector_store %arg18[%swap3A_217], %and3A_216 {strides = array<i32>} : memref<40xi32, #tpu.memory_space<vmem>>, vector<16xi32>,
      %shift_right_logical3A_219 = arith.constant 7 : i32
      %shift_right_logical3A_220 = vector.broadcast %shift_right_logical3A_219 : i32 to vector<16xi32>
      %shift_right_logical3A_221 = arith.shrui %get3A_210, %shift_right_logical3A_220 : vector<16xi32>
      %swap3A_222 = arith.constant 24 : index
      %swap3A_223 = tpu.vector_load %arg16[%swap3A_222] {strides = array<i32>} : memref<40xi32, #tpu.memory_space<vmem>>, vector<16xi32>,
      tpu.vector_store %arg16[%swap3A_222], %shift_right_logical3A_221 {strides = array<i32>} : memref<40xi32, #tpu.memory_space<vmem>>, vector<16xi32>,
      tpu.vector_store_idx %arg26[%add3A_213, %and3A_216], %broadcast_in_dim3A_5 masked %ge3A_7 : memref<40x128xf32, #tpu.memory_space<vmem>>[vector<16xi32>, vector<16xi32>], vector<16xf32>, vector<16xi1>
      %dma_start3A_224 = arith.constant 0 : i32
      %dma_start3A_225 = arith.constant 0 : i32
      %dma_start3A_226 = tpu.memref_slice %arg10[%dma_start3A_224, %dma_start3A_225] : memref<80x128xf32, #tpu.memory_space<vmem_shared>> -> memref<80x128xf32, #tpu.memory_space<vmem_shared>>
      tpu.enqueue_indirect_dma source(%arg26 : memref<40x128xf32, #tpu.memory_space<vmem>>) target(%dma_start3A_226 : memref<80x128xf32, #tpu.memory_space<vmem_shared>>) offsets(%arg16 : memref<40xi32, #tpu.memory_space<vmem>>) semaphore(%arg40 : memref<!tpu.dma_semaphore, #tpu.memory_space<semaphore_mem>>) {add = true}
      %dma_wait3A_227 = arith.constant 0 : i32
      %dma_wait3A_228 = arith.constant 0 : i32
      %dma_wait3A_229 = tpu.memref_slice %arg10[%dma_wait3A_227, %dma_wait3A_228] : memref<80x128xf32, #tpu.memory_space<vmem_shared>> -> memref<80x128xf32, #tpu.memory_space<vmem_shared>>
      tpu.wait_indirect_dma semaphore(%arg39 : memref<!tpu.dma_semaphore, #tpu.memory_space<semaphore_mem>>) src(%arg22 : memref<40x128xf32, #tpu.memory_space<vmem>>) dst(%dma_wait3A_229 : memref<80x128xf32, #tpu.memory_space<vmem_shared>>)
      %add3A_230 = arith.constant 0 : i32
      %add3A_231 = vector.broadcast %add3A_230 : i32 to vector<16xi32>
      %add3A_232 = arith.addi %iota3A, %add3A_231 : vector<16xi32>
      %get3A_233 = arith.constant 0 : index
      %get3A_234 = tpu.vector_load %arg17[%get3A_233] {strides = array<i32>} : memref<40xi32, #tpu.memory_space<vmem>>, vector<16xi32>,
      tpu.vector_store_idx %arg22[%add3A_232, %get3A_234], %broadcast_in_dim3A_3 : memref<40x128xf32, #tpu.memory_space<vmem>>[vector<16xi32>, vector<16xi32>], vector<16xf32>,
      %add3A_235 = arith.constant 16 : i32
      %add3A_236 = vector.broadcast %add3A_235 : i32 to vector<16xi32>
      %add3A_237 = arith.addi %iota3A, %add3A_236 : vector<16xi32>
      %get3A_238 = arith.constant 16 : index
      %get3A_239 = tpu.vector_load %arg17[%get3A_238] {strides = array<i32>} : memref<40xi32, #tpu.memory_space<vmem>>, vector<16xi32>,
      tpu.vector_store_idx %arg22[%add3A_237, %get3A_239], %broadcast_in_dim3A_3 : memref<40x128xf32, #tpu.memory_space<vmem>>[vector<16xi32>, vector<16xi32>], vector<16xf32>,
      %add3A_240 = arith.constant 24 : i32
      %add3A_241 = vector.broadcast %add3A_240 : i32 to vector<16xi32>
      %add3A_242 = arith.addi %iota3A, %add3A_241 : vector<16xi32>
      %get3A_243 = arith.constant 24 : index
      %get3A_244 = tpu.vector_load %arg17[%get3A_243] {strides = array<i32>} : memref<40xi32, #tpu.memory_space<vmem>>, vector<16xi32>,
      tpu.vector_store_idx %arg22[%add3A_242, %get3A_244], %broadcast_in_dim3A_3 masked %ge3A_7 : memref<40x128xf32, #tpu.memory_space<vmem>>[vector<16xi32>, vector<16xi32>], vector<16xf32>, vector<16xi1>
      %dma_wait3A_245 = arith.constant 0 : i32
      %dma_wait3A_246 = arith.constant 0 : i32
      %dma_wait3A_247 = tpu.memref_slice %arg9[%dma_wait3A_245, %dma_wait3A_246] : memref<10000x128xf32, #tpu.memory_space<vmem_shared>> -> memref<10000x128xf32, #tpu.memory_space<vmem_shared>>
      tpu.wait_indirect_dma semaphore(%arg37 : memref<!tpu.dma_semaphore, #tpu.memory_space<semaphore_mem>>) src(%arg21 : memref<40x128xf32, #tpu.memory_space<vmem>>) dst(%dma_wait3A_247 : memref<10000x128xf32, #tpu.memory_space<vmem_shared>>)
      %lt3A = arith.constant 124 : i32
      %lt3A_248 = arith.cmpi slt, %add3A_69, %lt3A : i32
      %convert_element_type3A_249 = arith.extui %lt3A_248 : i1 to i32
      %cond3A_250 = arith.constant 0 : i32
      %cond3A_251 = arith.cmpi ne, %convert_element_type3A_249, %cond3A_250 : i32
      scf.if %cond3A_251 {
        %add3A_278 = arith.constant 2 : i32
        %add3A_279 = arith.addi %mul3A_71, %add3A_278 : i32
        %mul3A_280 = arith.constant 40 : i32
        %mul3A_281 = arith.muli %add3A_279, %mul3A_280 : i32
        %add3A_282 = arith.addi %mul3A_2, %mul3A_281 : i32
        %dma_start3A_283 = tpu.memref_slice %arg5[%add3A_282] : memref<320000xi32, #tpu.memory_space<hbm>> -> memref<40xi32, #tpu.memory_space<hbm>>
        %dma_start3A_284 = tpu.memref_slice %arg5[%add3A_282] : memref<320000xi32, #tpu.memory_space<hbm>> -> memref<40xi32, #tpu.memory_space<hbm>>
        tpu.enqueue_dma source(%dma_start3A_284 : memref<40xi32, #tpu.memory_space<hbm>>) target(%arg11 : memref<40xi32, #tpu.memory_space<vmem>>) target_semaphore(%arg27 : memref<!tpu.dma_semaphore, #tpu.memory_space<semaphore_mem>>)
        %dma_start3A_285 = tpu.memref_slice %arg6[%add3A_282] : memref<320000xi32, #tpu.memory_space<hbm>> -> memref<40xi32, #tpu.memory_space<hbm>>
        %dma_start3A_286 = tpu.memref_slice %arg6[%add3A_282] : memref<320000xi32, #tpu.memory_space<hbm>> -> memref<40xi32, #tpu.memory_space<hbm>>
        tpu.enqueue_dma source(%dma_start3A_286 : memref<40xi32, #tpu.memory_space<hbm>>) target(%arg12 : memref<40xi32, #tpu.memory_space<vmem>>) target_semaphore(%arg28 : memref<!tpu.dma_semaphore, #tpu.memory_space<semaphore_mem>>)
      } else {
      }
      %dma_wait3A_252 = arith.constant 0 : i32
      %dma_wait3A_253 = arith.constant 0 : i32
      %dma_wait3A_254 = tpu.memref_slice %arg10[%dma_wait3A_252, %dma_wait3A_253] : memref<80x128xf32, #tpu.memory_space<vmem_shared>> -> memref<80x128xf32, #tpu.memory_space<vmem_shared>>
      tpu.wait_indirect_dma semaphore(%arg40 : memref<!tpu.dma_semaphore, #tpu.memory_space<semaphore_mem>>) src(%arg26 : memref<40x128xf32, #tpu.memory_space<vmem>>) dst(%dma_wait3A_254 : memref<80x128xf32, #tpu.memory_space<vmem_shared>>)
      %add3A_255 = arith.constant 0 : i32
      %add3A_256 = vector.broadcast %add3A_255 : i32 to vector<16xi32>
      %add3A_257 = arith.addi %iota3A, %add3A_256 : vector<16xi32>
      %get3A_258 = arith.constant 0 : index
      %get3A_259 = tpu.vector_load %arg18[%get3A_258] {strides = array<i32>} : memref<40xi32, #tpu.memory_space<vmem>>, vector<16xi32>,
      tpu.vector_store_idx %arg26[%add3A_257, %get3A_259], %broadcast_in_dim3A_3 : memref<40x128xf32, #tpu.memory_space<vmem>>[vector<16xi32>, vector<16xi32>], vector<16xf32>,
      %add3A_260 = arith.constant 16 : i32
      %add3A_261 = vector.broadcast %add3A_260 : i32 to vector<16xi32>
      %add3A_262 = arith.addi %iota3A, %add3A_261 : vector<16xi32>
      %get3A_263 = arith.constant 16 : index
      %get3A_264 = tpu.vector_load %arg18[%get3A_263] {strides = array<i32>} : memref<40xi32, #tpu.memory_space<vmem>>, vector<16xi32>,
      tpu.vector_store_idx %arg26[%add3A_262, %get3A_264], %broadcast_in_dim3A_3 : memref<40x128xf32, #tpu.memory_space<vmem>>[vector<16xi32>, vector<16xi32>], vector<16xf32>,
      %add3A_265 = arith.constant 24 : i32
      %add3A_266 = vector.broadcast %add3A_265 : i32 to vector<16xi32>
      %add3A_267 = arith.addi %iota3A, %add3A_266 : vector<16xi32>
      %get3A_268 = arith.constant 24 : index
      %get3A_269 = tpu.vector_load %arg18[%get3A_268] {strides = array<i32>} : memref<40xi32, #tpu.memory_space<vmem>>, vector<16xi32>,
      tpu.vector_store_idx %arg26[%add3A_267, %get3A_269], %broadcast_in_dim3A_3 masked %ge3A_7 : memref<40x128xf32, #tpu.memory_space<vmem>>[vector<16xi32>, vector<16xi32>], vector<16xf32>, vector<16xi1>
      %dma_wait3A_270 = arith.constant 0 : i32
      %dma_wait3A_271 = arith.constant 0 : i32
      %dma_wait3A_272 = tpu.memref_slice %arg9[%dma_wait3A_270, %dma_wait3A_271] : memref<10000x128xf32, #tpu.memory_space<vmem_shared>> -> memref<10000x128xf32, #tpu.memory_space<vmem_shared>>
      tpu.wait_indirect_dma semaphore(%arg38 : memref<!tpu.dma_semaphore, #tpu.memory_space<semaphore_mem>>) src(%arg25 : memref<40x128xf32, #tpu.memory_space<vmem>>) dst(%dma_wait3A_272 : memref<10000x128xf32, #tpu.memory_space<vmem_shared>>)
      %lt3A_273 = arith.constant 124 : i32
      %lt3A_274 = arith.cmpi slt, %add3A_69, %lt3A_273 : i32
      %convert_element_type3A_275 = arith.extui %lt3A_274 : i1 to i32
      %cond3A_276 = arith.constant 0 : i32
      %cond3A_277 = arith.cmpi ne, %convert_element_type3A_275, %cond3A_276 : i32
      scf.if %cond3A_277 {
        %add3A_278 = arith.constant 3 : i32
        %add3A_279 = arith.addi %mul3A_71, %add3A_278 : i32
        %mul3A_280 = arith.constant 40 : i32
        %mul3A_281 = arith.muli %add3A_279, %mul3A_280 : i32
        %add3A_282 = arith.addi %mul3A_2, %mul3A_281 : i32
        %dma_start3A_283 = tpu.memref_slice %arg5[%add3A_282] : memref<320000xi32, #tpu.memory_space<hbm>> -> memref<40xi32, #tpu.memory_space<hbm>>
        %dma_start3A_284 = tpu.memref_slice %arg5[%add3A_282] : memref<320000xi32, #tpu.memory_space<hbm>> -> memref<40xi32, #tpu.memory_space<hbm>>
        tpu.enqueue_dma source(%dma_start3A_284 : memref<40xi32, #tpu.memory_space<hbm>>) target(%arg13 : memref<40xi32, #tpu.memory_space<vmem>>) target_semaphore(%arg29 : memref<!tpu.dma_semaphore, #tpu.memory_space<semaphore_mem>>)
        %dma_start3A_285 = tpu.memref_slice %arg6[%add3A_282] : memref<320000xi32, #tpu.memory_space<hbm>> -> memref<40xi32, #tpu.memory_space<hbm>>
        %dma_start3A_286 = tpu.memref_slice %arg6[%add3A_282] : memref<320000xi32, #tpu.memory_space<hbm>> -> memref<40xi32, #tpu.memory_space<hbm>>
        tpu.enqueue_dma source(%dma_start3A_286 : memref<40xi32, #tpu.memory_space<hbm>>) target(%arg14 : memref<40xi32, #tpu.memory_space<vmem>>) target_semaphore(%arg30 : memref<!tpu.dma_semaphore, #tpu.memory_space<semaphore_mem>>)
        %dma_wait3A_287 = arith.constant 0 : i32
        %dma_wait3A_288 = tpu.memref_slice %arg5[%dma_wait3A_287] : memref<320000xi32, #tpu.memory_space<hbm>> -> memref<40xi32, #tpu.memory_space<hbm>>
        %dma_wait3A_289 = arith.constant 0 : i32
        %dma_wait3A_290 = tpu.memref_slice %arg5[%dma_wait3A_289] : memref<320000xi32, #tpu.memory_space<hbm>> -> memref<40xi32, #tpu.memory_space<hbm>>
        tpu.wait_dma2 semaphore(%arg27 : memref<!tpu.dma_semaphore, #tpu.memory_space<semaphore_mem>>) src(%dma_wait3A_290 : memref<40xi32, #tpu.memory_space<hbm>>) dst(%arg11 : memref<40xi32, #tpu.memory_space<vmem>>)
        %dma_wait3A_291 = arith.constant 0 : i32
        %dma_wait3A_292 = tpu.memref_slice %arg6[%dma_wait3A_291] : memref<320000xi32, #tpu.memory_space<hbm>> -> memref<40xi32, #tpu.memory_space<hbm>>
        %dma_wait3A_293 = arith.constant 0 : i32
        %dma_wait3A_294 = tpu.memref_slice %arg6[%dma_wait3A_293] : memref<320000xi32, #tpu.memory_space<hbm>> -> memref<40xi32, #tpu.memory_space<hbm>>
        tpu.wait_dma2 semaphore(%arg28 : memref<!tpu.dma_semaphore, #tpu.memory_space<semaphore_mem>>) src(%dma_wait3A_294 : memref<40xi32, #tpu.memory_space<hbm>>) dst(%arg12 : memref<40xi32, #tpu.memory_space<vmem>>)
        %add3A_295 = arith.constant 2 : i32
        %add3A_296 = arith.addi %mul3A_71, %add3A_295 : i32
        %mul3A_297 = arith.constant 40 : i32
        %mul3A_298 = arith.muli %add3A_296, %mul3A_297 : i32
        %add3A_299 = arith.addi %mul3A_2, %mul3A_298 : i32
        %dma_start3A_300 = arith.constant 0 : i32
        %dma_start3A_301 = arith.constant 0 : i32
        %dma_start3A_302 = tpu.memref_slice %arg2[%dma_start3A_300, %dma_start3A_301] : memref<10000x128xf32, #tpu.memory_space<hbm>> -> memref<10000x128xf32, #tpu.memory_space<hbm>>
        tpu.enqueue_indirect_dma source(%dma_start3A_302 : memref<10000x128xf32, #tpu.memory_space<hbm>>) target(%arg19 : memref<40x128xf32, #tpu.memory_space<vmem>>) offsets(%arg11 : memref<40xi32, #tpu.memory_space<vmem>>) semaphore(%arg31 : memref<!tpu.dma_semaphore, #tpu.memory_space<semaphore_mem>>)
        %dma_start3A_303 = arith.constant 0 : i32
        %dma_start3A_304 = arith.constant 0 : i32
        %dma_start3A_305 = tpu.memref_slice %arg3[%dma_start3A_303, %dma_start3A_304] : memref<10000x128xf32, #tpu.memory_space<hbm>> -> memref<10000x128xf32, #tpu.memory_space<hbm>>
        tpu.enqueue_indirect_dma source(%dma_start3A_305 : memref<10000x128xf32, #tpu.memory_space<hbm>>) target(%arg20 : memref<40x128xf32, #tpu.memory_space<vmem>>) offsets(%arg12 : memref<40xi32, #tpu.memory_space<vmem>>) semaphore(%arg32 : memref<!tpu.dma_semaphore, #tpu.memory_space<semaphore_mem>>)
        %dma_start3A_306 = arith.constant 0 : i32
        %dma_start3A_307 = tpu.memref_slice %arg4[%add3A_299, %dma_start3A_306] : memref<320000x128xf32, #tpu.memory_space<hbm>> -> memref<40x128xf32, #tpu.memory_space<hbm>>
        %dma_start3A_308 = arith.constant 0 : i32
        %dma_start3A_309 = tpu.memref_slice %arg4[%add3A_299, %dma_start3A_308] : memref<320000x128xf32, #tpu.memory_space<hbm>> -> memref<40x128xf32, #tpu.memory_space<hbm>>
        tpu.enqueue_dma source(%dma_start3A_309 : memref<40x128xf32, #tpu.memory_space<hbm>>) target(%arg21 : memref<40x128xf32, #tpu.memory_space<vmem>>) target_semaphore(%arg33 : memref<!tpu.dma_semaphore, #tpu.memory_space<semaphore_mem>>)
      } else {
      }
    }
    %scan3A_53 = arith.constant 125 : i32
    %barrier3A_54 = arith.constant 0 : index
    tpu.barrier barrier_id(%barrier3A_54)
    %scan3A_55 = arith.constant 0 : i32
    %scan3A_56 = arith.constant 16 : i32
    %scan3A_57 = arith.addi %scan3A_55, %scan3A_56 : i32
    %scan3A_58 = arith.constant 1 : i32
    scf.for %scan3A_65 = %scan3A_55 to %scan3A_57 step %scan3A_58  : i32 {
      %mul3A_66 = arith.constant 1 : i32
      %mul3A_67 = arith.muli %scan3A_65, %mul3A_66 : i32
      %add3A_68 = arith.constant 0 : i32
      %add3A_69 = arith.addi %add3A_68, %mul3A_67 : i32
      %mul3A_70 = arith.constant 16 : i32
      %mul3A_71 = arith.muli %add3A_69, %mul3A_70 : i32
      %add3A_72 = arith.addi %mul3A_71, %arg1 : i32
      %lt3A = arith.constant 250 : i32
      %lt3A_73 = arith.cmpi slt, %add3A_72, %lt3A : i32
      %convert_element_type3A_74 = arith.extui %lt3A_73 : i1 to i32
      %cond3A_75 = arith.constant 0 : i32
      %cond3A_76 = arith.cmpi ne, %convert_element_type3A_74, %cond3A_75 : i32
      scf.if %cond3A_76 {
        %mul3A_77 = arith.constant 40 : i32
        %mul3A_78 = arith.muli %add3A_72, %mul3A_77 : i32
        %mul3A_79 = arith.constant 40 : i32
        %mul3A_80 = arith.muli %add3A_72, %mul3A_79 : i32
        "tpu.region"() ({
          %run_scoped3A = tpu.sem_alloc : memref<!tpu.dma_semaphore, #tpu.memory_space<semaphore_mem>>
          %dma_start3A_81 = arith.constant 0 : i32
          %dma_start3A_82 = tpu.memref_slice %arg7[%arg0, %mul3A_80, %dma_start3A_81] : memref<2x10000x128xf32, #tpu.memory_space<hbm>> -> memref<1x40x128xf32, #tpu.memory_space<hbm>>
          %dma_start3A_83 = tpu.memref_squeeze %dma_start3A_82 : memref<1x40x128xf32, #tpu.memory_space<hbm>> -> memref<40x128xf32, #tpu.memory_space<hbm>>
          %dma_start3A_84 = arith.constant 0 : i32
          %dma_start3A_85 = tpu.memref_slice %arg9[%mul3A_78, %dma_start3A_84] : memref<10000x128xf32, #tpu.memory_space<vmem_shared>> -> memref<40x128xf32, #tpu.memory_space<vmem_shared>>
          tpu.enqueue_dma source(%dma_start3A_85 : memref<40x128xf32, #tpu.memory_space<vmem_shared>>) target(%dma_start3A_83 : memref<40x128xf32, #tpu.memory_space<hbm>>) target_semaphore(%run_scoped3A : memref<!tpu.dma_semaphore, #tpu.memory_space<semaphore_mem>>)
          %dma_wait3A_86 = arith.constant 0 : i32
          %dma_wait3A_87 = tpu.memref_slice %arg7[%arg0, %mul3A_80, %dma_wait3A_86] : memref<2x10000x128xf32, #tpu.memory_space<hbm>> -> memref<1x40x128xf32, #tpu.memory_space<hbm>>
          %dma_wait3A_88 = tpu.memref_squeeze %dma_wait3A_87 : memref<1x40x128xf32, #tpu.memory_space<hbm>> -> memref<40x128xf32, #tpu.memory_space<hbm>>
          %dma_wait3A_89 = arith.constant 0 : i32
          %dma_wait3A_90 = tpu.memref_slice %arg9[%mul3A_78, %dma_wait3A_89] : memref<10000x128xf32, #tpu.memory_space<vmem_shared>> -> memref<40x128xf32, #tpu.memory_space<vmem_shared>>
          tpu.wait_dma2 semaphore(%run_scoped3A : memref<!tpu.dma_semaphore, #tpu.memory_space<semaphore_mem>>) src(%dma_wait3A_90 : memref<40x128xf32, #tpu.memory_space<vmem_shared>>) dst(%dma_wait3A_88 : memref<40x128xf32, #tpu.memory_space<hbm>>)
          tpu.yield
        }) : () -> ()
      } else {
      }
    }
    %scan3A_59 = arith.constant 16 : i32
    %eq3A_60 = arith.constant 0 : i32
    %eq3A_61 = arith.cmpi eq, %arg1, %eq3A_60 : i32
    %convert_element_type3A_62 = arith.extui %eq3A_61 : i1 to i32
    %cond3A_63 = arith.constant 0 : i32
    %cond3A_64 = arith.cmpi ne, %convert_element_type3A_62, %cond3A_63 : i32
    scf.if %cond3A_64 {
      "tpu.region"() ({
        %run_scoped3A = tpu.sem_alloc : memref<!tpu.dma_semaphore, #tpu.memory_space<semaphore_mem>>
        %dma_start3A_65 = arith.constant 0 : i32
        %dma_start3A_66 = arith.constant 0 : i32
        %dma_start3A_67 = tpu.memref_slice %arg8[%arg0, %dma_start3A_65, %dma_start3A_66] : memref<2x80x128xf32, #tpu.memory_space<hbm>> -> memref<1x80x128xf32, #tpu.memory_space<hbm>>
        %dma_start3A_68 = tpu.memref_squeeze %dma_start3A_67 : memref<1x80x128xf32, #tpu.memory_space<hbm>> -> memref<80x128xf32, #tpu.memory_space<hbm>>
        tpu.enqueue_dma source(%arg10 : memref<80x128xf32, #tpu.memory_space<vmem_shared>>) target(%dma_start3A_68 : memref<80x128xf32, #tpu.memory_space<hbm>>) target_semaphore(%run_scoped3A : memref<!tpu.dma_semaphore, #tpu.memory_space<semaphore_mem>>)
        %dma_wait3A_69 = arith.constant 0 : i32
        %dma_wait3A_70 = arith.constant 0 : i32
        %dma_wait3A_71 = tpu.memref_slice %arg8[%arg0, %dma_wait3A_69, %dma_wait3A_70] : memref<2x80x128xf32, #tpu.memory_space<hbm>> -> memref<1x80x128xf32, #tpu.memory_space<hbm>>
        %dma_wait3A_72 = tpu.memref_squeeze %dma_wait3A_71 : memref<1x80x128xf32, #tpu.memory_space<hbm>> -> memref<80x128xf32, #tpu.memory_space<hbm>>
        tpu.wait_dma2 semaphore(%run_scoped3A : memref<!tpu.dma_semaphore, #tpu.memory_space<semaphore_mem>>) src(%arg10 : memref<80x128xf32, #tpu.memory_space<vmem_shared>>) dst(%dma_wait3A_72 : memref<80x128xf32, #tpu.memory_space<hbm>>)
        tpu.yield
      }) : () -> ()
    } else {
    }
    return
  }
}

module attributes {stable_mosaic.version = 14 : i64} {
  func.func @_finish_body(%arg0: i32, %arg1: memref<2x1000x128xf32, #tpu.memory_space<vmem>>, %arg2: memref<1000x1xf32, #tpu.memory_space<vmem>>, %arg3: memref<1000x128xf32, #tpu.memory_space<vmem>>, %arg4: memref<128x128xf32, #tpu.memory_space<vmem>>, %arg5: memref<1000x128xf32, #tpu.memory_space<vmem>>) attributes {dimension_semantics = [#tpu.dimension_semantics<arbitrary>], iteration_bounds = array<i64: 10>, scalar_prefetch = 0 : i64, scratch_operands = 0 : i64, tpu.core_type = #tpu.core_type<tc>, window_params = [{transform_indices = @transform_0, window_bounds = array<i64: 2, 1000, 128>}, {transform_indices = @transform_1, window_bounds = array<i64: 1000, 1>}, {transform_indices = @transform_2, window_bounds = array<i64: 1000, 128>}, {pipeline_mode = #tpu.pipeline_mode<synchronous>, transform_indices = @transform_3, window_bounds = array<i64: 128, 128>}, {transform_indices = @transform_4, window_bounds = array<i64: 1000, 128>}]} {
    %get3A = arith.constant 0 : index
    %get3A_0 = arith.constant 0 : index
    %get3A_1 = arith.constant 0 : index
    %get3A_2 = vector.load %arg1[%get3A, %get3A_0, %get3A_1] : memref<2x1000x128xf32, #tpu.memory_space<vmem>>, vector<1x1000x128xf32>
    %get3A_3 = vector.shape_cast %get3A_2 : vector<1x1000x128xf32> to vector<1000x128xf32>
    %get3A_4 = arith.constant 1 : index
    %get3A_5 = arith.constant 0 : index
    %get3A_6 = arith.constant 0 : index
    %get3A_7 = vector.load %arg1[%get3A_4, %get3A_5, %get3A_6] : memref<2x1000x128xf32, #tpu.memory_space<vmem>>, vector<1x1000x128xf32>
    %get3A_8 = vector.shape_cast %get3A_7 : vector<1x1000x128xf32> to vector<1000x128xf32>
    %add3A = arith.addf %get3A_3, %get3A_8 : vector<1000x128xf32>
    %get3A_9 = arith.constant 0 : index
    %get3A_10 = arith.constant 0 : index
    %get3A_11 = vector.load %arg2[%get3A_9, %get3A_10] : memref<1000x1xf32, #tpu.memory_space<vmem>>, vector<1000x1xf32>
    %max3A = arith.constant 1.000000e+00 : f32
    %max3A_12 = vector.broadcast %max3A : f32 to vector<1000x1xf32>
    %max3A_13 = arith.maximumf %get3A_11, %max3A_12 : vector<1000x1xf32>
    %div3A = vector.broadcast %max3A_13 : vector<1000x1xf32> to vector<1000x128xf32>
    %div3A_14 = arith.divf %add3A, %div3A : vector<1000x128xf32>
    %get3A_15 = arith.constant 0 : index
    %get3A_16 = arith.constant 0 : index
    %get3A_17 = vector.load %arg4[%get3A_15, %get3A_16] : memref<128x128xf32, #tpu.memory_space<vmem>>, vector<128x128xf32>
    %dot_general3A = arith.constant dense<0.000000e+00> : vector<1000x128xf32>
    %dot_general3A_18 = tpu.matmul %div3A_14, %get3A_17, %dot_general3A {dimension_numbers = #tpu.dot_dimension_numbers<[1], [0], [0], [1], [0, 0, 1, 1], [], []>, precision = #tpu.contract_precision<fp32>, transpose_lhs_hint = false} : vector<1000x128xf32>, vector<128x128xf32>, vector<1000x128xf32> -> vector<1000x128xf32>
    %get3A_19 = arith.constant 0 : index
    %get3A_20 = arith.constant 0 : index
    %get3A_21 = vector.load %arg3[%get3A_19, %get3A_20] : memref<1000x128xf32, #tpu.memory_space<vmem>>, vector<1000x128xf32>
    %add3A_22 = arith.addf %dot_general3A_18, %get3A_21 : vector<1000x128xf32>
    %max3A_23 = arith.constant 0.000000e+00 : f32
    %max3A_24 = vector.broadcast %max3A_23 : f32 to vector<1000x128xf32>
    %max3A_25 = arith.maximumf %add3A_22, %max3A_24 : vector<1000x128xf32>
    %swap3A = arith.constant 0 : index
    %swap3A_26 = arith.constant 0 : index
    %swap3A_27 = vector.load %arg5[%swap3A, %swap3A_26] : memref<1000x128xf32, #tpu.memory_space<vmem>>, vector<1000x128xf32>
    tpu.vector_store %arg5[%swap3A, %swap3A_26], %max3A_25 {strides = array<i32>} : memref<1000x128xf32, #tpu.memory_space<vmem>>, vector<1000x128xf32>,
    return
  }
  func.func @transform_0(%arg0: i32) -> (i32, i32, i32) {
    %c0_i32 = arith.constant 0 : i32
    %c0_i32_0 = arith.constant 0 : i32
    %c0_i32_1 = arith.constant 0 : i32
    return %c0_i32, %arg0, %c0_i32_0 : i32, i32, i32
  }
  func.func @transform_1(%arg0: i32) -> (i32, i32) {
    %c0_i32 = arith.constant 0 : i32
    %c0_i32_0 = arith.constant 0 : i32
    return %arg0, %c0_i32 : i32, i32
  }
  func.func @transform_2(%arg0: i32) -> (i32, i32) {
    %c0_i32 = arith.constant 0 : i32
    %c0_i32_0 = arith.constant 0 : i32
    return %arg0, %c0_i32 : i32, i32
  }
  func.func @transform_3(%arg0: i32) -> (i32, i32) {
    %c0_i32 = arith.constant 0 : i32
    %c0_i32_0 = arith.constant 0 : i32
    %c0_i32_1 = arith.constant 0 : i32
    return %c0_i32, %c0_i32_0 : i32, i32
  }
  func.func @transform_4(%arg0: i32) -> (i32, i32) {
    %c0_i32 = arith.constant 0 : i32
    %c0_i32_0 = arith.constant 0 : i32
    return %arg0, %c0_i32 : i32, i32
  }
}

module attributes {stable_mosaic.version = 14 : i64} {
  func.func @_proj_body(%arg0: i32, %arg1: memref<400x128xf32, #tpu.memory_space<vmem>>, %arg2: memref<128x384xf32, #tpu.memory_space<vmem>>, %arg3: memref<1x384xf32, #tpu.memory_space<vmem>>, %arg4: memref<16x12800xf32, #tpu.memory_space<vmem>>, %arg5: memref<16x128xbf16, #tpu.memory_space<vmem>>, %arg6: memref<400x128xf32, #tpu.memory_space<vmem>>, %arg7: memref<400x128xf32, #tpu.memory_space<vmem>>, %arg8: memref<400x128xf32, #tpu.memory_space<vmem>>, %arg9: memref<12800x128xf32, #tpu.memory_space<vmem>>) attributes {dimension_semantics = [#tpu.dimension_semantics<arbitrary>], iteration_bounds = array<i64: 25>, scalar_prefetch = 0 : i64, scratch_operands = 0 : i64, tpu.core_type = #tpu.core_type<tc>, window_params = [{transform_indices = @transform_0, window_bounds = array<i64: 400, 128>}, {pipeline_mode = #tpu.pipeline_mode<synchronous>, transform_indices = @transform_1, window_bounds = array<i64: 128, 384>}, {pipeline_mode = #tpu.pipeline_mode<synchronous>, transform_indices = @transform_2, window_bounds = array<i64: 1, 384>}, {transform_indices = @transform_3, window_bounds = array<i64: 16, 12800>}, {pipeline_mode = #tpu.pipeline_mode<synchronous>, transform_indices = @transform_4, window_bounds = array<i64: 16, 128>}, {transform_indices = @transform_5, window_bounds = array<i64: 400, 128>}, {transform_indices = @transform_6, window_bounds = array<i64: 400, 128>}, {transform_indices = @transform_7, window_bounds = array<i64: 400, 128>}, {transform_indices = @transform_8, window_bounds = array<i64: 12800, 128>}]} {
    %get3A = arith.constant 0 : index
    %get3A_0 = arith.constant 0 : index
    %get3A_1 = vector.load %arg1[%get3A, %get3A_0] : memref<400x128xf32, #tpu.memory_space<vmem>>, vector<400x128xf32>
    %get3A_2 = arith.constant 0 : index
    %get3A_3 = arith.constant 0 : index
    %get3A_4 = vector.load %arg2[%get3A_2, %get3A_3] : memref<128x384xf32, #tpu.memory_space<vmem>>, vector<128x384xf32>
    %dot_general3A = arith.constant dense<0.000000e+00> : vector<400x384xf32>
    %dot_general3A_5 = tpu.matmul %get3A_1, %get3A_4, %dot_general3A {dimension_numbers = #tpu.dot_dimension_numbers<[1], [0], [0], [1], [0, 0, 1, 1], [], []>, precision = #tpu.contract_precision<fp32>, transpose_lhs_hint = false} : vector<400x128xf32>, vector<128x384xf32>, vector<400x384xf32> -> vector<400x384xf32>
    %get3A_6 = arith.constant 0 : index
    %get3A_7 = arith.constant 0 : index
    %get3A_8 = vector.load %arg3[%get3A_6, %get3A_7] : memref<1x384xf32, #tpu.memory_space<vmem>>, vector<1x384xf32>
    %add3A = vector.broadcast %get3A_8 : vector<1x384xf32> to vector<400x384xf32>
    %add3A_9 = arith.addf %dot_general3A_5, %add3A : vector<400x384xf32>
    %slice3A = vector.extract_strided_slice %add3A_9 {offsets = [0, 0], sizes = [400, 128], strides = [1, 1]} : vector<400x384xf32> to vector<400x128xf32>
    %swap3A = arith.constant 0 : index
    %swap3A_10 = arith.constant 0 : index
    %swap3A_11 = vector.load %arg6[%swap3A, %swap3A_10] : memref<400x128xf32, #tpu.memory_space<vmem>>, vector<400x128xf32>
    tpu.vector_store %arg6[%swap3A, %swap3A_10], %slice3A {strides = array<i32>} : memref<400x128xf32, #tpu.memory_space<vmem>>, vector<400x128xf32>,
    %slice3A_12 = vector.extract_strided_slice %add3A_9 {offsets = [0, 128], sizes = [400, 128], strides = [1, 1]} : vector<400x384xf32> to vector<400x128xf32>
    %swap3A_13 = arith.constant 0 : index
    %swap3A_14 = arith.constant 0 : index
    %swap3A_15 = vector.load %arg7[%swap3A_13, %swap3A_14] : memref<400x128xf32, #tpu.memory_space<vmem>>, vector<400x128xf32>
    tpu.vector_store %arg7[%swap3A_13, %swap3A_14], %slice3A_12 {strides = array<i32>} : memref<400x128xf32, #tpu.memory_space<vmem>>, vector<400x128xf32>,
    %slice3A_16 = vector.extract_strided_slice %add3A_9 {offsets = [0, 256], sizes = [400, 128], strides = [1, 1]} : vector<400x384xf32> to vector<400x128xf32>
    %swap3A_17 = arith.constant 0 : index
    %swap3A_18 = arith.constant 0 : index
    %swap3A_19 = vector.load %arg8[%swap3A_17, %swap3A_18] : memref<400x128xf32, #tpu.memory_space<vmem>>, vector<400x128xf32>
    tpu.vector_store %arg8[%swap3A_17, %swap3A_18], %slice3A_16 {strides = array<i32>} : memref<400x128xf32, #tpu.memory_space<vmem>>, vector<400x128xf32>,
    %get3A_20 = arith.constant 0 : index
    %get3A_21 = arith.constant 0 : index
    %get3A_22 = vector.load %arg4[%get3A_20, %get3A_21] : memref<16x12800xf32, #tpu.memory_space<vmem>>, vector<16x12800xf32>
    %convert_element_type3A = arith.truncf %get3A_22 : vector<16x12800xf32> to vector<16x12800xbf16>
    %get3A_23 = arith.constant 0 : index
    %get3A_24 = arith.constant 0 : index
    %get3A_25 = vector.load %arg5[%get3A_23, %get3A_24] : memref<16x128xbf16, #tpu.memory_space<vmem>>, vector<16x128xbf16>
    %dot_general3A_26 = arith.constant dense<0.000000e+00> : vector<12800x128xf32>
    %dot_general3A_27 = tpu.matmul %convert_element_type3A, %get3A_25, %dot_general3A_26 {dimension_numbers = #tpu.dot_dimension_numbers<[0], [0], [1], [1], [0, 1, 1, 1], [], []>, transpose_lhs_hint = false} : vector<16x12800xbf16>, vector<16x128xbf16>, vector<12800x128xf32> -> vector<12800x128xf32>
    %swap3A_28 = arith.constant 0 : index
    %swap3A_29 = arith.constant 0 : index
    %swap3A_30 = vector.load %arg9[%swap3A_28, %swap3A_29] : memref<12800x128xf32, #tpu.memory_space<vmem>>, vector<12800x128xf32>
    tpu.vector_store %arg9[%swap3A_28, %swap3A_29], %dot_general3A_27 {strides = array<i32>} : memref<12800x128xf32, #tpu.memory_space<vmem>>, vector<12800x128xf32>,
    return
  }
  func.func @transform_0(%arg0: i32) -> (i32, i32) {
    %c0_i32 = arith.constant 0 : i32
    %c0_i32_0 = arith.constant 0 : i32
    return %arg0, %c0_i32 : i32, i32
  }
  func.func @transform_1(%arg0: i32) -> (i32, i32) {
    %c0_i32 = arith.constant 0 : i32
    %c0_i32_0 = arith.constant 0 : i32
    %c0_i32_1 = arith.constant 0 : i32
    return %c0_i32, %c0_i32_0 : i32, i32
  }
  func.func @transform_2(%arg0: i32) -> (i32, i32) {
    %c0_i32 = arith.constant 0 : i32
    %c0_i32_0 = arith.constant 0 : i32
    %c0_i32_1 = arith.constant 0 : i32
    return %c0_i32, %c0_i32_0 : i32, i32
  }
  func.func @transform_3(%arg0: i32) -> (i32, i32) {
    %c0_i32 = arith.constant 0 : i32
    %c0_i32_0 = arith.constant 0 : i32
    return %c0_i32, %arg0 : i32, i32
  }
  func.func @transform_4(%arg0: i32) -> (i32, i32) {
    %c0_i32 = arith.constant 0 : i32
    %c0_i32_0 = arith.constant 0 : i32
    %c0_i32_1 = arith.constant 0 : i32
    return %c0_i32, %c0_i32_0 : i32, i32
  }
  func.func @transform_5(%arg0: i32) -> (i32, i32) {
    %c0_i32 = arith.constant 0 : i32
    %c0_i32_0 = arith.constant 0 : i32
    return %arg0, %c0_i32 : i32, i32
  }
  func.func @transform_6(%arg0: i32) -> (i32, i32) {
    %c0_i32 = arith.constant 0 : i32
    %c0_i32_0 = arith.constant 0 : i32
    return %arg0, %c0_i32 : i32, i32
  }
  func.func @transform_7(%arg0: i32) -> (i32, i32) {
    %c0_i32 = arith.constant 0 : i32
    %c0_i32_0 = arith.constant 0 : i32
    return %arg0, %c0_i32 : i32, i32
  }
  func.func @transform_8(%arg0: i32) -> (i32, i32) {
    %c0_i32 = arith.constant 0 : i32
    %c0_i32_0 = arith.constant 0 : i32
    return %arg0, %c0_i32 : i32, i32
  }
}

</mosaic_0001>

<sc_bundles>
// kernel: kernel.5.cloned.1.call-start
scs
__scs_entry_jumppad:
0x0: {  	(pc) =	sbr.rel $0x88, $3  }
0x1: {  	(tag) =	ssettag $0x0;
	lr =	simm.s32 $0x1  }
0x2: {  	[smem:$0x3F9A] =	sst lr;
	_ =	strace $0xD0000000  }
0x3: {  	_ = 	snop  }
0x4: {  	_ = 	snop  }
0x5: {  	_ = 	snop  }
0x6: {  	_ = 	snop  }
0x7: {  	_ = 	snop  }
__scs_overlays_trampoline_lowered:
0x8: {  	[smem:$0x3FA9] =	sst s0  }
0x9: {  	[smem:$0x3FAA] =	sst s1  }
0xa: {  	[smem:$0x3FAB] =	sst s2  }
0xb: {  	[smem:$0x3FAC] =	sst s3  }
0xc: {  	[smem:$0x3FAD] =	sst s4  }
0xd: {  	[smem:$0x3FAE] =	sst s5  }
0xe: {  	[smem:$0x3FAF] =	sst s6  }
0xf: {  	[smem:$0x3FB0] =	sst s7  }
0x10: {  	[smem:$0x3FB1] =	sst s8  }
0x11: {  	[smem:$0x3FB2] =	sst s9;
	s0 =	simm.s32 @!p0 $0x0  }
0x12: {  	s1 =	sld [smem:$0x3F98];
	s0 =	simm.s32 @p0 $0x1  }
0x13: {  	[smem:$0x3FB3] =	sst s0;
	s0 =	simm.s32 @!p1 $0x0  }
0x14: {  	s2 =	sld [smem:$0x3F97];
	s0 =	simm.s32 @p1 $0x1  }
0x15: {  	[smem:$0x3FB4] =	sst s0;
	s0 =	simm.s32 @!p2 $0x0  }
0x16: {  	s3 =	sld [smem:$0x3FDB];
	s0 =	simm.s32 @p2 $0x1  }
0x17: {  	s4 =	simm.s32 $0x1BF5;
	[smem:$0x3FB6] =	sst s0  }
0x18: {  	s0 =	sld [smem:$0x3F99];
	_ =	swait.ge [sflag:s4], $0x0  }
0x19: {  	s7 =	sld [smem:$0x3F9A]  }
0x1a: {  	s8 =	sadd.s32 $0xFFFFE003, lr  }
0x1b: {  	s9 =	sadd.s32 $0xFFFFFEF7, lr;
	s5 =	simm.s32 $0xFFFFFFFF;
	p2 =	slt.u32 s8, $0xFFFFF086  }
0x1c: {  	p1 =	slt.u32 s9, $0xF7A;
	s5 =	simm.s32 @!p2 $0x0  }
0x1d: {  	s5 =	simm.s32 @p1 $0x1;
	p0 =	seq.s32 s7, s2  }
0x1e: {  	s7 =	smul.u32 @!p0 $0xF7A, s2;
	p2 =	seq.s32 @!p0 s5, $0x0  }
0x1f: {  	s9 =	smul.u32 $0xF7A, s1;
	s8 =	simm.s32 @!p0 $0x1BF5;
	p2 =	por !p2, p0  }
0x20: {  	[sflag:s8] =	ssyncset.s32 @!p0 $0xFFFFF086;
	s6 =	sadd.s32 @!p0 s3, s7;
	s7 =	simm.s32 @!p0 $0x108  }
0x21: {  	s3 =	sadd.s32 s3, s9;
	s6 =	sadd.s32 @!p0 $0x88, s6;
	s7 =	simm.s32 @p2 $0x1082  }
0x22: {  	[simem:s7], [sflag:s8] =	dma.local @!p0 [hbm:s6], $0xF7A  }
0x23: {  	s9 =	sor.u32 $0xD0000000, s2;
	s6 =	simm.s32 $0x108;
	_ =	swait.ge @!p0 [sflag:s8], $0x0  }
0x24: {  	s3 =	sadd.s32 $0x88, s3;
	s6 =	simm.s32 @!p1 $0x1082;
	[sflag:s4] =	ssyncset.s32 $0xFFFFF086  }
0x25: {  	[simem:s6], [sflag:s4] =	dma.local [hbm:s3], $0xF7A  }
0x26: {  	[smem:$0x3F9A] =	sst s1;
	(tag) =	ssettag s2;
	_ =	strace s9  }
0x27: {  	s1 =	sld [smem:$0x3FAA]  }
0x28: {  	s2 =	sld [smem:$0x3FAB]  }
0x29: {  	s4 =	sld [smem:$0x3FAD]  }
0x2a: {  	p0 =	seq.s32 s5, $0x0;
	s5 =	sld [smem:$0x3FAE]  }
0x2b: {  	s6 =	sld [smem:$0x3FAF]  }
0x2c: {  	s7 =	sld [smem:$0x3FB0]  }
0x2d: {  	s3 =	simm.s32 $0x108;
	s8 =	sld [smem:$0x3FB1]  }
0x2e: {  	s3 =	simm.s32 @!p0 $0x1082;
	s9 =	sld [smem:$0x3FB2]  }
0x2f: {  	lr =	sadd.s32 s0, s3;
	s0 =	sld [smem:$0x3FA9]  }
0x30: {  	s3 =	sld [smem:$0x3FAC]  }
0x31: {  	[smem:$0x3FB5] =	sst s10  }
0x32: {  	s10 =	sld [smem:$0x3FB3];
	_ =	sdelay $0x3  }
0x33: {  	p0 =	seq.s32 s10, $0x1;
	s10 =	sld [smem:$0x3FB5];
	_ =	sdelay $0x3  }
0x34: {  	[smem:$0x3FB5] =	sst s10  }
0x35: {  	s10 =	sld [smem:$0x3FB4];
	_ =	sdelay $0x3  }
0x36: {  	p1 =	seq.s32 s10, $0x1;
	s10 =	sld [smem:$0x3FB5];
	_ =	sdelay $0x3  }
0x37: {  	[smem:$0x3FB5] =	sst s10  }
0x38: {  	s10 =	sld [smem:$0x3FB6]  }
0x39: {  	_ = 	snop;
	(pc) =	sbr.ind lr, $3  }
0x3a: {  	_ = 	snop  }
0x3b: {  	_ = 	snop  }
0x3c: {  	p2 =	seq.s32 s10, $0x1;
	s10 =	sld [smem:$0x3FB5]  }
0x3d: {  	_ =	shalt  }
0x3e: {  	_ =	shalt  }
0x3f: {  	_ =	shalt  }
0x40: {  	_ =	shalt  }
0x41: {  	_ =	shalt  }
0x42: {  	_ =	shalt  }
0x43: {  	_ =	shalt  }
0x44: {  	_ =	shalt  }
0x45: {  	_ =	shalt  }
0x46: {  	_ =	shalt  }
0x47: {  	_ =	shalt  }
0x48: {  	_ =	shalt  }
0x49: {  	_ =	shalt  }
0x4a: {  	_ =	shalt  }
0x4b: {  	_ =	shalt  }
0x4c: {  	_ =	shalt  }
0x4d: {  	_ =	shalt  }
0x4e: {  	_ =	shalt  }
0x4f: {  	_ =	shalt  }
0x50: {  	_ =	shalt  }
0x51: {  	_ =	shalt  }
0x52: {  	_ =	shalt  }
0x53: {  	_ =	shalt  }
0x54: {  	_ =	shalt  }
0x55: {  	_ =	shalt  }
0x56: {  	_ =	shalt  }
0x57: {  	_ =	shalt  }
0x58: {  	_ =	shalt  }
0x59: {  	_ =	shalt  }
0x5a: {  	_ =	shalt  }
0x5b: {  	_ =	shalt  }
0x5c: {  	_ =	shalt  }
0x5d: {  	_ =	shalt  }
0x5e: {  	_ =	shalt  }
0x5f: {  	_ =	shalt  }
0x60: {  	_ =	shalt  }
0x61: {  	_ =	shalt  }
0x62: {  	_ =	shalt  }
0x63: {  	_ =	shalt  }
0x64: {  	_ =	shalt  }
0x65: {  	_ =	shalt  }
0x66: {  	_ =	shalt  }
0x67: {  	_ =	shalt  }
0x68: {  	_ =	shalt  }
0x69: {  	_ =	shalt  }
0x6a: {  	_ =	shalt  }
0x6b: {  	_ =	shalt  }
0x6c: {  	_ =	shalt  }
0x6d: {  	_ =	shalt  }
0x6e: {  	_ =	shalt  }
0x6f: {  	_ =	shalt  }
0x70: {  	_ =	shalt  }
0x71: {  	_ =	shalt  }
0x72: {  	_ =	shalt  }
0x73: {  	_ =	shalt  }
0x74: {  	_ =	shalt  }
0x75: {  	_ =	shalt  }
0x76: {  	_ =	shalt  }
0x77: {  	_ =	shalt  }
0x78: {  	_ =	shalt  }
0x79: {  	_ =	shalt  }
0x7a: {  	_ =	shalt  }
0x7b: {  	_ =	shalt  }
0x7c: {  	_ =	shalt  }
0x7d: {  	_ =	shalt  }
0x7e: {  	_ =	shalt  }
0x7f: {  	_ =	shalt  }
0x80: {  	_ =	shalt  }
0x81: {  	_ =	shalt  }
0x82: {  	_ =	shalt  }
0x83: {  	_ =	shalt  }
0x84: {  	_ =	shalt  }
0x85: {  	_ =	shalt  }
0x86: {  	_ =	shalt  }
0x87: {  	_ =	shalt  }
.Lfunc_end0:
.L_simem_size_0:
called_computation_lowered:
.L_overlay_start_0:
0x88: {  	s2 =	sld [smem:$0x3FD9]  }
0x89: {  	s3 =	sld [smem:$0x3FFE];
	_ =	sdelay $0x1  }
0x8a: {  	s1 =	srdreg.scid  }
0x8b: {  	s0 =	sand.u32 $0x1, s1  }
0x8c: {  	s17 =	sshll.u32 s0, $0xA;
	s2 =	sadd.s32 s3, s2  }
0x8d: {  	s2 =	sadd.s32 s2, s17  }
0x8e: {  	[smem:$0x3FC1] =	sst s2  }
0x8f: {  	_ = 	snop  }
0x90: {  	s2 =	sld [smem:$0x3FD0];
	(tm) =	ssettm $0x1  }
0x91: {  	s18 =	sld [smem:$0x3FFB];
	_ =	sdelay $0x3  }
0x92: {  	_ =	strace s18  }
0x93: {  	s3 =	sld [smem:$0x3FFC];
	_ =	sdelay $0x3  }
0x94: {  	_ =	strace s3  }
0x95: {  	s3 =	sld [smem:$0x3FFD];
	_ =	sdelay $0x3  }
0x96: {  	_ =	strace s3  }
0x97: {  	_ =	strace $0x8FFFFFFF  }
0x98: {  	s19 =	sld [smem:$0x3FDB];
	_ =	sdelay $0x1  }
0x99: {  	s4 =	simm.s32 $_scs_section_size  }
0x9a: {  	s5 =	simm.s32 $_size__tile_overlayer_lowered;
	s6 =	simm.s32 $_tile_overlayer_lowered  }
0x9b: {  	s22 =	simm.s32 $0x1BFF;
	s21 =	sshll.u32 s6, $0x1;
	s3 =	sadd.s32 s4, s19  }
0x9c: {  	s7 =	simm.s32 $0x0;
	s20 =	sshll.u32 s5, $0x1;
	s5 =	sadd.s32 s21, s3  }
0x9d: {  	[timem:s7], [sflag:s22] =	dma.local [hbm:s5], s20  }
0x9e: {  	_ =	swait.ge [sflag:s22], s20  }
0x9f: {  	s4 =	ssub.s32 $0x0, s20;
	[sflag:s22] =	ssyncset.done $0x0  }
0xa0: {  	[sflag:s22] =	ssyncadd.s32 s4;
	_ =	sdelay $0x1  }
0xa1: {  	s23 =	simm.s32 $0x1B8B  }
0xa2: {  	_ =	swait.ge [sflag:s23], $0x1  }
0xa3: {  	[sflag:s23] =	ssyncset.done $0x0  }
0xa4: {  	s25 =	simm.s32 $0x1B8E;
	s24 =	sld [smem:$0x3FFE];
	[sflag:s23] =	ssyncadd.s32 $0xFFFFFFFF  }
0xa5: {  	s26 =	simm.s32 $execute0_lowered;
	[smem:$0x3FD2] =	sst s25  }
0xa6: {  	s5 =	sshll.u32 s26, $0x1;
	_ =	strace $0x80000046;
	[dreg:$0x1] =	wrdreg $0xFFFFFFFF  }
0xa7: {  	s28 =	simm.s32 $_size_execute0_lowered;
	s3 =	sadd.s32 s3, s5;
	[dreg:$0x0] =	wrdreg $0x0  }
0xa8: {  	s5 =	sshll.u32 s28, $0x1;
	[dreg:$0x2] =	wrdreg s3  }
0xa9: {  	[dreg:$0x3] =	wrdreg s5  }
0xaa: {  	[dreg:$0x4] =	wrdreg $0xC0  }
0xab: {  	_ =	task [dreg:s7], $0x5FFFF  }
0xac: {  	[dreg:$0x1] =	wrdreg $0xFFFFFFFF  }
0xad: {  	[dreg:$0x0] =	wrdreg $0x60  }
0xae: {  	[dreg:$0x2] =	wrdreg s2  }
0xaf: {  	[dreg:$0x3] =	wrdreg s24  }
0xb0: {  	[dreg:$0x4] =	wrdreg $0x0  }
0xb1: {  	[dreg:$0x5] =	wrdreg $0x138800  }
0xb2: {  	[dreg:$0x6] =	wrdreg $0x9  }
0xb3: {  	_ =	task.clear_ibuf [dreg:s7], $0x7FFFF;
	_ =	strace $0x90000046  }
0xb4: {  	s29 =	simm.s32 $0x9;
	_ =	strace $0x80000048  }
0xb5: {  	_ =	swait.ge [sflag:s29], $0x1  }
0xb6: {  	[sflag:s29] =	ssyncadd.s32 $0xFFFFFFFF  }
0xb7: {  	_ =	strace $0x90000048  }
0xb8: {  	_ =	sfence  }
0xb9: {  	s30 =	sld [smem:$0x0];
	_ =	sdelay $0x2  }
0xba: {  	s31 =	sshll.u32 s1, $0xD;
	s1 =	sshrl.u32 s1, $0x2  }
0xbb: {  	s3 =	sand.u32 $0x4000, s31;
	s1 =	sadd.s32 s1, s30  }
0xbc: {  	s0 =	sor.u32 s3, s0;
	s1 =	sshll.u32 s1, $0x11  }
0xbd: {  	s0 =	sor.u32 s1, s0  }
0xbe: {  	s0 =	sadd.s32 $0x8F2B, s0  }
0xbf: {  	[sflag:s0] =	ssyncadd.remote.s32 $0x1  }
0xc0: {  	_ =	sfence.sel $0xFFFF  }
0xc1: {  	[dreg:$0x0] =	wrdreg $0xFFFFFFFF;
	(pc) =	sbr.abs _section_cstart, $3  }
0xc2: {  	[dreg:$0x1] =	wrdreg $0xFFFFFFFF  }
0xc3: {  	_ =	task.clear_ibuf [dreg:s7], $0x2FFFF;
	_ =	strace $0x9FFFFFFF  }
0xc4: {  	(tm) =	ssettm $0x7FFFFFFF  }
0xc5: {  	_ =	shalt  }
tec
execute0_lowered:
.L_overlay_start_1:
0x0: {  	(tag) =	ssettag $0x1  }
0x1: {  	s4 =	rddreg [dreg:$0x0]  }
0x2: {  	s0 =	rddreg [dreg:$0x1]  }
0x3: {  	s16 =	rddreg [dreg:$0x2]  }
0x4: {  	s13 =	rddreg [dreg:$0x3];
	s2 =	simm.s32 $0x0  }
0x5: {  	s1 =	srdreg.scid;
	s5 =	stileid.u32;
	s30 =	simm.s32 $0x28  }
0x6: {  	s29 =	simm.s32 $0x16700;
	s31 =	simm.s32 $0x1CB00;
	s28 =	simm.s32 $0x13B80  }
0x7: {  	[smem:$0x7FF] =	sst s2;
	s1 =	sand.u32 $0x1, s1;
	s6 =	sadd.s32 $0x4F7200, s0  }
0x8: {  	s3 =	smul.u32 $0x1400, s5;
	s7 =	sadd.s32 $0x15200, s0;
	s8 =	sadd.s32 $0xB400, s0  }
0x9: {  	s9 =	sshll.u32 s5, $0x1;
	s18 =	sadd.s32 $0x1400, s13;
	s22 =	smul.u32 $0x5000, s5  }
0xa: {  	p0 =	sne.s32 s5, $0x0;
	s13 =	simm.s32 $0x4;
	s14 =	smul.u32 $0x138800, s1  }
0xb: {  	_ =	strace $0x80000047;
	s15 =	smul.u32 $0x500, s1;
	s10 =	sor.u32 s1, s9  }
0xc: {  	s1 =	ssub.s32 $0x2, s1;
	s9 =	sadd.s32 $0x1600, s0;
	[dreg:$0x5] =	wrdreg s18  }
0xd: {  	s18 =	simm.s32 $0xC;
	s11 =	smul.u32 $0x2710, s10;
	s12 =	sshrl.u32 s1, $0x1  }
0xe: {  	s10 =	smul.u32 $0x27100, s10;
	s25 =	sshrl.u32 s22, $0x2;
	s22 =	simm.s32 $0x7  }
0xf: {  	s2 =	sadd.s32 s3, s14;
	s1 =	ssub.s32 s1, s12;
	s14 =	simm.s32 $0x9  }
0x10: {  	s2 =	sshrl.u32 s2, $0x3;
	s17 =	sshrl.u32 s11, $0x3;
	s20 =	sadd.s32 $0x28, s11  }
0x11: {  	s10 =	sadd.s32 s7, s10;
	s23 =	sadd.s32 $0x78, s11;
	s24 =	smax.u32 s1, $0x1  }
0x12: {  	s1 =	simm.s32 $0xB;
	s2 =	sadd.s32 s2, s0;
	[dreg:$0x7] =	wrdreg s20  }
0x13: {  	s0 =	sadd.s32 s15, s0;
	s19 =	sadd.s32 s8, s17;
	[dreg:$0xb] =	wrdreg s10  }
0x14: {  	s3 =	sadd.s32 s9, s17;
	s21 =	sshrl.u32 s20, $0x3;
	[dreg:$0xc] =	wrdreg s23  }
0x15: {  	s17 =	sadd.s32 $0x50, s11;
	[dreg:$0xe] =	wrdreg s24;
	s11 =	simm.s32 $0x3  }
0x16: {  	s20 =	simm.s32 $0x6;
	s15 =	simm.s32 $0xA;
	[dreg:$0x6] =	wrdreg s19  }
0x17: {  	s23 =	simm.s32 $0xD;
	[dreg:$0x8] =	wrdreg s3;
	s12 =	sadd.s32 s8, s21  }
0x18: {  	s10 =	simm.s32 $0x0;
	s3 =	sadd.s32 s9, s21;
	[dreg:$0x9] =	wrdreg s12  }
0x19: {  	v0 =	vlaneseq.u32;
	s0 =	sadd.s32 $0x51E400, s0;
	s26 =	sadd.s32 $0x51EE00, s2;
	[dreg:$0xa] =	wrdreg s3  }
0x1a: {  	v0 =	vmul.u32 $0x80, v0;
	s19 =	simm.s32 $0x5;
	s21 =	simm.s32 $0x17B00;
	[dreg:$0xd] =	wrdreg s0  }
0x1b: {  	v1 =	vimm.f32 $0.0e+00;
	v2 =	vimm.f32 $1.000000000e+00;
	s2 =	simm.s32 $0xE;
	s0 =	sadd.s32 s25, s16;
	[dreg:$0x10] =	wrdreg s26  }
0x1c: {  	vm0 =	vcmask $0x3F20;
	v3 =	vor.u32 $0x800, v0;
	v4 =	vadd.s32 $0xC00, v0;
	s26 =	simm.s32 $0x13C80;
	[dreg:$0xf] =	wrdreg s0;
	s0 =	simm.s32 $0x8  }
.LBB2_1:
0x1d: {  	[dreg:$0x11] =	wrdreg s10;
	s3 =	simm.s32 $0x0;
	s10 =	simm.s32 $0x200  }
.LBB2_2:
0x1e: {  	p1 =	sne.s32 s10, $0x4E00;
	[tilespmem:s3+$0x1CB70] =	vst v1  }
0x1f: {  	[tilespmem:s3+$0x16700] =	vst v1  }
0x20: {  	[tilespmem:s3+$0x17B00] =	vst v1  }
0x21: {  	[tilespmem:s3+$0x1CB00] =	vst v1  }
0x22: {  	[tilespmem:s3+$0x16710] =	vst v1  }
0x23: {  	[tilespmem:s3+$0x17B10] =	vst v1  }
0x24: {  	[tilespmem:s3+$0x1CB10] =	vst v1  }
0x25: {  	[tilespmem:s3+$0x16720] =	vst v1  }
0x26: {  	[tilespmem:s3+$0x17B20] =	vst v1  }
0x27: {  	[tilespmem:s3+$0x1CB20] =	vst v1  }
0x28: {  	[tilespmem:s3+$0x16730] =	vst v1  }
0x29: {  	[tilespmem:s3+$0x17B30] =	vst v1  }
0x2a: {  	[tilespmem:s3+$0x1CB30] =	vst v1  }
0x2b: {  	[tilespmem:s3+$0x16740] =	vst v1  }
0x2c: {  	[tilespmem:s3+$0x17B40] =	vst v1  }
0x2d: {  	[tilespmem:s3+$0x1CB40] =	vst v1  }
0x2e: {  	[tilespmem:s3+$0x16750] =	vst v1  }
0x2f: {  	[tilespmem:s3+$0x17B50] =	vst v1  }
0x30: {  	[tilespmem:s3+$0x1CB50] =	vst v1  }
.Ltmp0:
0x31: {  	[tilespmem:s3+$0x16760] =	vst v1;
	(pc) =	sbr.rel @p1 .LBB2_2-.Ltmp0, $4  }
0x32: {  	[tilespmem:s3+$0x17B60] =	vst v1  }
0x33: {  	[tilespmem:s3+$0x1CB60] =	vst v1  }
0x34: {  	[tilespmem:s3+$0x16770] =	vst v1  }
0x35: {  	[tilespmem:s3+$0x17B70] =	vst v1;
	s3 =	sshra.s32 s10, $0x2;
	s10 =	sadd.s32 $0x200, s10  }
0x36: {  	[tilespmem:s3+$0x1CB70] =	vst v1  }
0x37: {  	[tilespmem:s3+$0x16700] =	vst v1  }
0x38: {  	[tilespmem:s3+$0x17B00] =	vst v1  }
0x39: {  	[tilespmem:s3+$0x1CB00] =	vst v1  }
0x3a: {  	[tilespmem:s3+$0x16710] =	vst v1  }
0x3b: {  	[tilespmem:s3+$0x17B10] =	vst v1  }
0x3c: {  	[tilespmem:s3+$0x1CB10] =	vst v1  }
0x3d: {  	[tilespmem:s3+$0x16720] =	vst v1  }
0x3e: {  	[tilespmem:s3+$0x17B20] =	vst v1  }
0x3f: {  	[tilespmem:s3+$0x1CB20] =	vst v1  }
0x40: {  	[tilespmem:s3+$0x16730] =	vst v1  }
0x41: {  	[tilespmem:s3+$0x17B30] =	vst v1  }
0x42: {  	[tilespmem:s3+$0x1CB30] =	vst v1  }
0x43: {  	[tilespmem:s3+$0x16740] =	vst v1  }
0x44: {  	[tilespmem:s3+$0x17B40] =	vst v1  }
0x45: {  	[tilespmem:s3+$0x1CB40] =	vst v1  }
0x46: {  	[tilespmem:s3+$0x16750] =	vst v1  }
0x47: {  	[tilespmem:s3+$0x17B50] =	vst v1  }
0x48: {  	[tilespmem:s3+$0x1CB50] =	vst v1  }
0x49: {  	[tilespmem:s3+$0x16760] =	vst v1  }
0x4a: {  	[tilespmem:s3+$0x17B60] =	vst v1  }
0x4b: {  	[tilespmem:s3+$0x1CB60] =	vst v1;
	s10 =	sadd.s32 $0x0, s5  }
0x4c: {  	[tilespmem:s3+$0x16770] =	vst v1;
	p1 =	sgt.u32 s10, $0xF9  }
0x4d: {  	[tilespmem:s3+$0x17B70] =	vst v1;
	s24 =	rddreg [dreg:$0xf];
	s3 =	simm.s32 @!p1 $0x16700;
	s25 =	simm.s32 @!p1 $0xF  }
0x4e: {  	[spmem:s24] =	stream.linear.scatter @!p1 [tilespmem:s3], [sflag:$0xF], $0x1400, $0x38;
	[tilespmem:$0x1DF00] =	vst v63  }
0x4f: {  	s12 =	simm.s32 $0x20;
	_ =	swait.ge @!p1 [sflag:s25], $0x1400  }
0x50: {  	s10 =	simm.s32 $0x10;
	s3 =	sadd.s32 $0x14000, s24;
	[sflag:s25] =	ssyncset.done @!p1 $0x0  }
.LBB2_4:
0x51: {  	s24 =	sadd.s32 s10, s5;
	s10 =	smov.u32 s12;
	s12 =	sadd.s32 $0x10, s12  }
0x52: {  	[sflag:s25] =	ssyncadd.s32 @!p1 $0xFFFFEC00;
	p2 =	sne.s32 s12, $0x100  }
.Ltmp1:
0x53: {  	p1 =	sgt.u32 s24, $0xF9;
	(pc) =	sbr.rel @p2 .LBB2_4-.Ltmp1, $4  }
0x54: {  	s24 =	simm.s32 @!p1 $0x16700;
	s25 =	simm.s32 @!p1 $0xF  }
0x55: {  	[spmem:s3] =	stream.linear.scatter @!p1 [tilespmem:s24], [sflag:$0xF], $0x1400, $0x38;
	[tilespmem:$0x1DF00] =	vst v63  }
0x56: {  	_ =	swait.ge @!p1 [sflag:s25], $0x1400  }
0x57: {  	s3 =	sadd.s32 $0x14000, s3;
	[sflag:s25] =	ssyncset.done @!p1 $0x0  }
0x58: {  	s10 =	sadd.s32 s10, s5  }
0x59: {  	p2 =	sgt.u32 s10, $0xF9  }
0x5a: {  	[sflag:s25] =	ssyncadd.s32 @!p1 $0xFFFFEC00;
	s10 =	simm.s32 @!p2 $0x16700;
	s12 =	simm.s32 @!p2 $0xF  }
0x5b: {  	[spmem:s3] =	stream.linear.scatter @!p2 [tilespmem:s10], [sflag:$0xF], $0x1400, $0x38;
	[tilespmem:$0x1DF00] =	vst v63  }
0x5c: {  	_ =	swait.ge @!p2 [sflag:s12], $0x1400  }
0x5d: {  	[sflag:s12] =	ssyncset.done @!p2 $0x0  }
0x5e: {  	[sflag:s12] =	ssyncadd.s32 @!p2 $0xFFFFEC00  }
0x5f: {  	s3 =	simm.s32 @!p0 $0x16700;
	s10 =	rddreg [dreg:$0x3]  }
0x60: {  	[spmem:s10] =	stream.linear.scatter @!p0 [tilespmem:s3], [sflag:$0xF], $0x1400, $0x38;
	[tilespmem:$0x1DF00] =	vst v63  }
0x61: {  	s10 =	simm.s32 @!p0 $0xF  }
0x62: {  	_ =	swait.ge @!p0 [sflag:s10], $0x1400  }
0x63: {  	[sflag:s10] =	ssyncset.done @!p0 $0x0  }
0x64: {  	s12 =	rddreg [dreg:$0x5];
	[sflag:s10] =	ssyncadd.s32 @!p0 $0xFFFFEC00  }
0x65: {  	[spmem:s12] =	stream.linear.scatter @!p0 [tilespmem:s3], [sflag:$0xF], $0x1400, $0x38;
	[tilespmem:$0x1DF00] =	vst v63  }
0x66: {  	_ =	swait.ge @!p0 [sflag:s10], $0x1400  }
0x67: {  	[sflag:s10] =	ssyncset.done @!p0 $0x0  }
0x68: {  	[sflag:s10] =	ssyncadd.s32 @!p0 $0xFFFFEC00  }
0x69: {  	[bflag:$0x0] =	sbarrier.arrive $0xFFFF  }
0x6a: {  	s24 =	simm.s32 $0x0;
	s10 =	simm.s32 $0x13B00;
	s12 =	rddreg [dreg:$0x6]  }
0x6b: {  	[tilespmem:s10], [sflag:$0x1] =	stream.linear.gather [hbm4b:s12+s24], $0x28, $0x38;
	[tilespmem:$0x1DF00] =	vst v63  }
0x6c: {  	s25 =	rddreg [dreg:$0x8];
	s12 =	simm.s32 $0x13B80  }
0x6d: {  	[tilespmem:s12], [sflag:$0x2] =	stream.linear.gather [hbm4b:s25+s24], $0x28, $0x38;
	[tilespmem:$0x1DF00] =	vst v63  }
0x6e: {  	s3 =	rddreg [dreg:$0x9];
	s25 =	simm.s32 $0x13C00  }
0x6f: {  	[tilespmem:s25], [sflag:$0x3] =	stream.linear.gather [hbm4b:s3+s24], $0x28, $0x38;
	[tilespmem:$0x1DF00] =	vst v63  }
0x70: {  	s3 =	rddreg [dreg:$0xa]  }
0x71: {  	[tilespmem:s26], [sflag:$0x4] =	stream.linear.gather [hbm4b:s3+s24], $0x28, $0x38;
	[tilespmem:$0x1DF00] =	vst v63  }
0x72: {  	s3 =	simm.s32 $0x1  }
0x73: {  	_ =	swait.ge [sflag:s3], $0x28  }
0x74: {  	[sflag:s3] =	ssyncset.done $0x0  }
0x75: {  	[sflag:s3] =	ssyncadd.s32 $0xFFFFFFD8;
	s3 =	simm.s32 $0x2  }
0x76: {  	_ =	swait.ge [sflag:s3], $0x28  }
0x77: {  	[sflag:s3] =	ssyncset.done $0x0  }
0x78: {  	[sflag:s3] =	ssyncadd.s32 $0xFFFFFFD8;
	s3 =	simm.s32 $0x13F00  }
0x79: {  	[tilespmem:s3], [sflag:$0x5] =	stream.indirect.gather [hbm4b:s4+s30], $0x80, s10, s30, $0xb8;
	[tilespmem:$0x1DF00] =	vst v63  }
0x7a: {  	s10 =	simm.s32 $0x15300  }
0x7b: {  	[tilespmem:s10], [sflag:$0x6] =	stream.indirect.gather [hbm4b:s6+s30], $0x80, s12, s30, $0xb8;
	[tilespmem:$0x1DF00] =	vst v63  }
0x7c: {  	s3 =	simm.s32 $0x0;
	s12 =	rddreg [dreg:$0xb]  }
0x7d: {  	[tilespmem:s29], [sflag:$0x7] =	stream.linear.gather [hbm4b:s12+s24], $0x1400, $0x38;
	[tilespmem:$0x1DF00] =	vst v63  }
.LBB2_6:
0x7e: {  	_ =	swait.ge [sflag:s11], $0x28  }
0x7f: {  	[sflag:s11] =	ssyncset.done $0x0  }
0x80: {  	[sflag:s11] =	ssyncadd.s32 $0xFFFFFFD8  }
0x81: {  	_ =	swait.ge [sflag:s13], $0x28  }
0x82: {  	[sflag:s13] =	ssyncset.done $0x0  }
0x83: {  	s10 =	simm.s32 $0x18F00;
	s12 =	smul.u32 $0x50, s3;
	[sflag:s13] =	ssyncadd.s32 $0xFFFFFFD8  }
0x84: {  	[tilespmem:s10], [sflag:$0x8] =	stream.indirect.gather [hbm4b:s4+s30], $0x80, s25, s30, $0xb8;
	[tilespmem:$0x1DF00] =	vst v63  }
0x85: {  	s25 =	rddreg [dreg:$0x7]  }
0x86: {  	s24 =	simm.s32 $0x1A300;
	s10 =	sadd.s32 s12, s25  }
0x87: {  	[tilespmem:s24], [sflag:$0x9] =	stream.indirect.gather [hbm4b:s6+s30], $0x80, s26, s30, $0xb8;
	[tilespmem:$0x1DF00] =	vst v63  }
0x88: {  	s10 =	sshll.u32 s10, $0x4  }
0x89: {  	s24 =	simm.s32 $0x1B700;
	s26 =	simm.s32 $0x0;
	s10 =	sadd.s32 s7, s10  }
0x8a: {  	[tilespmem:s24], [sflag:$0xA] =	stream.linear.gather [hbm4b:s10+s26], $0x1400, $0x38;
	[tilespmem:$0x1DF00] =	vst v63  }
0x8b: {  	_ =	swait.ge [sflag:s19], $0x1400  }
0x8c: {  	[sflag:s19] =	ssyncset.done $0x0  }
0x8d: {  	[sflag:s19] =	ssyncadd.s32 $0xFFFFEC00  }
0x8e: {  	_ =	swait.ge [sflag:s20], $0x1400  }
0x8f: {  	[sflag:s20] =	ssyncset.done $0x0  }
0x90: {  	[sflag:s20] =	ssyncadd.s32 $0xFFFFEC00  }
0x91: {  	_ =	swait.ge [sflag:s22], $0x1400  }
0x92: {  	[sflag:s22] =	ssyncset.done $0x0  }
0x93: {  	s25 =	simm.s32 $0x0;
	[sflag:s22] =	ssyncadd.s32 $0xFFFFEC00  }
0x94: {  	v17 =	vld [tilespmem:s25+$0x13F00]  }
0x95: {  	v22 =	vld [tilespmem:s25+$0x15300]  }
0x96: {  	v24 =	vld [tilespmem:s25+$0x13F10]  }
0x97: {  	v25 =	vld [tilespmem:s25+$0x15310]  }
0x98: {  	v10 =	vld [tilespmem:s25+$0x13F20]  }
0x99: {  	v14 =	vld [tilespmem:s25+$0x15320]  }
0x9a: {  	v12 =	vld [tilespmem:s25+$0x13F30]  }
0x9b: {  	v16 =	vld [tilespmem:s25+$0x15330]  }
0x9c: {  	v13 =	vld [tilespmem:s25+$0x13F40]  }
0x9d: {  	v15 =	vld [tilespmem:s25+$0x15340]  }
0x9e: {  	v9 =	vld [tilespmem:s25+$0x13F50]  }
0x9f: {  	v11 =	vld [tilespmem:s25+$0x15350]  }
0xa0: {  	v7 =	vld [tilespmem:s25+$0x13F60]  }
0xa1: {  	v8 =	vld [tilespmem:s25+$0x15360]  }
0xa2: {  	v5 =	vld [tilespmem:s25+$0x13F70]  }
0xa3: {  	v6 =	vld [tilespmem:s25+$0x15370]  }
0xa4: {  	v21 =	vld [tilespmem:s25+$0x16700]  }
0xa5: {  	v20 =	vld [tilespmem:s25+$0x16710]  }
0xa6: {  	v19 =	vld [tilespmem:s25+$0x16720]  }
0xa7: {  	v18 =	vld [tilespmem:s25+$0x16730];
	v23 =	vadd.f32 v22, v17  }
0xa8: {  	s10 =	simm.s32 $0x200;
	v22 =	vadd.f32 v25, v24;
	v17 =	vld [tilespmem:s25+$0x16740]  }
.LBB2_7:
0xa9: {  	p1 =	sne.s32 s10, $0x4E00;
	v21 =	vadd.f32 v21, v23;
	v10 =	vadd.f32 v14, v10;
	v14 =	vld [tilespmem:s25+$0x16750]  }
0xaa: {  	v12 =	vadd.f32 v16, v12;
	v20 =	vadd.f32 v20, v22;
	v16 =	vld [tilespmem:s25+$0x16760]  }
0xab: {  	s24 =	sshra.s32 s10, $0x2;
	v13 =	vadd.f32 v15, v13;
	v21 =	vmax.f32 v21, $0.0e+00;
	v10 =	vadd.f32 v19, v10;
	v15 =	vld [tilespmem:s25+$0x16770]  }
0xac: {  	v9 =	vadd.f32 v11, v9;
	v22 =	vld [tilespmem:s24+$0x13F00];
	[tilespmem:s25+$0x16700] =	vst v21;
	v19 =	vmax.f32 v20, $0.0e+00;
	v12 =	vadd.f32 v18, v12  }
0xad: {  	v7 =	vadd.f32 v8, v7;
	v18 =	vld [tilespmem:s24+$0x15300];
	[tilespmem:s25+$0x16710] =	vst v19;
	v10 =	vmax.f32 v10, $0.0e+00;
	v11 =	vadd.f32 v17, v13  }
0xae: {  	v5 =	vadd.f32 v6, v5;
	v17 =	vld [tilespmem:s24+$0x13F10];
	[tilespmem:s25+$0x16720] =	vst v10;
	v8 =	vmax.f32 v12, $0.0e+00;
	v9 =	vadd.f32 v14, v9  }
0xaf: {  	v24 =	vld [tilespmem:s24+$0x15310];
	[tilespmem:s25+$0x16730] =	vst v8;
	v6 =	vmax.f32 v11, $0.0e+00;
	v7 =	vadd.f32 v16, v7  }
0xb0: {  	v10 =	vld [tilespmem:s24+$0x13F20];
	[tilespmem:s25+$0x16740] =	vst v6;
	v6 =	vmax.f32 v9, $0.0e+00;
	v5 =	vadd.f32 v15, v5  }
0xb1: {  	v14 =	vld [tilespmem:s24+$0x15320];
	[tilespmem:s25+$0x16750] =	vst v6;
	v6 =	vmax.f32 v7, $0.0e+00  }
0xb2: {  	v12 =	vld [tilespmem:s24+$0x13F30];
	[tilespmem:s25+$0x16760] =	vst v6;
	v5 =	vmax.f32 v5, $0.0e+00  }
0xb3: {  	v16 =	vld [tilespmem:s24+$0x15330];
	[tilespmem:s25+$0x16770] =	vst v5;
	s25 =	smov.u32 s24  }
0xb4: {  	v13 =	vld [tilespmem:s25+$0x13F40]  }
0xb5: {  	v15 =	vld [tilespmem:s25+$0x15340]  }
0xb6: {  	v9 =	vld [tilespmem:s25+$0x13F50]  }
0xb7: {  	v11 =	vld [tilespmem:s25+$0x15350]  }
0xb8: {  	v7 =	vld [tilespmem:s25+$0x13F60]  }
0xb9: {  	v8 =	vld [tilespmem:s25+$0x15360]  }
0xba: {  	v5 =	vld [tilespmem:s25+$0x13F70]  }
0xbb: {  	v6 =	vld [tilespmem:s25+$0x15370]  }
.Ltmp2:
0xbc: {  	v21 =	vld [tilespmem:s25+$0x16700];
	(pc) =	sbr.rel @p1 .LBB2_7-.Ltmp2, $4  }
0xbd: {  	v20 =	vld [tilespmem:s25+$0x16710]  }
0xbe: {  	v19 =	vld [tilespmem:s25+$0x16720]  }
0xbf: {  	v23 =	vadd.f32 v18, v22;
	v18 =	vld [tilespmem:s25+$0x16730]  }
0xc0: {  	s10 =	sadd.s32 $0x200, s10;
	v22 =	vadd.f32 v24, v17;
	v17 =	vld [tilespmem:s25+$0x16740]  }
0xc1: {  	v21 =	vadd.f32 v21, v23  }
0xc2: {  	v10 =	vadd.f32 v14, v10;
	v14 =	vld [tilespmem:s25+$0x16750];
	v12 =	vadd.f32 v16, v12  }
0xc3: {  	v13 =	vadd.f32 v15, v13;
	v15 =	vld [tilespmem:s25+$0x16770];
	v20 =	vadd.f32 v20, v22  }
0xc4: {  	v16 =	vld [tilespmem:s25+$0x16760];
	v21 =	vmax.f32 v21, $0.0e+00;
	v10 =	vadd.f32 v19, v10  }
0xc5: {  	v9 =	vadd.f32 v11, v9;
	[tilespmem:s25+$0x16700] =	vst v21;
	v19 =	vmax.f32 v20, $0.0e+00;
	v12 =	vadd.f32 v18, v12  }
0xc6: {  	v5 =	vadd.f32 v6, v5;
	[tilespmem:s25+$0x16710] =	vst v19;
	v10 =	vmax.f32 v10, $0.0e+00;
	v11 =	vadd.f32 v17, v13  }
0xc7: {  	v7 =	vadd.f32 v8, v7;
	[tilespmem:s25+$0x16720] =	vst v10;
	v8 =	vmax.f32 v12, $0.0e+00;
	v9 =	vadd.f32 v14, v9  }
0xc8: {  	v5 =	vadd.f32 v15, v5;
	[tilespmem:s25+$0x16730] =	vst v8;
	v6 =	vmax.f32 v11, $0.0e+00  }
0xc9: {  	v7 =	vadd.f32 v16, v7;
	[tilespmem:s25+$0x16740] =	vst v6;
	v6 =	vmax.f32 v9, $0.0e+00  }
0xca: {  	v5 =	vmax.f32 v5, $0.0e+00;
	[tilespmem:s25+$0x16750] =	vst v6  }
0xcb: {  	v6 =	vmax.f32 v7, $0.0e+00;
	[tilespmem:s25+$0x16770] =	vst v5  }
0xcc: {  	[tilespmem:s25+$0x16760] =	vst v6  }
0xcd: {  	[spmem:s16] =	stream.indirect.scatter.add.f32 [tilespmem:s29], [sflag:$0xB], $0x80, s28, s30, $0xb8;
	[tilespmem:$0x1DF00] =	vst v63  }
0xce: {  	v5 =	vld [tilespmem:$0x13B80];
	_ =	sdelay $0x4  }
0xcf: {  	v6 =	vand.u32 $0x7F, v5  }
0xd0: {  	v7 =	vor.u32 v0, v6;
	_ =	sdelay $0x2  }
0xd1: {  	v5 =	vshrl.u32 v5, $0x7;
	[tilespmem:$0x13E00] =	vst v6  }
0xd2: {  	[tilespmem:$0x13D00] =	vst v5  }
0xd3: {  	[tilespmem:v7+s21+$0x0] =	vst.idx.msk $0xffff, v2  }
0xd4: {  	v5 =	vld [tilespmem:$0x13B90];
	_ =	sdelay $0x4  }
0xd5: {  	v6 =	vand.u32 $0x7F, v5  }
0xd6: {  	v7 =	vor.u32 v3, v6;
	_ =	sdelay $0x2  }
0xd7: {  	v5 =	vshrl.u32 v5, $0x7;
	[tilespmem:$0x13E10] =	vst v6  }
0xd8: {  	[tilespmem:$0x13D10] =	vst v5  }
0xd9: {  	[tilespmem:v7+s21+$0x0] =	vst.idx.msk $0xffff, v2  }
0xda: {  	v5 =	vld [tilespmem:$0x13B98];
	_ =	sdelay $0x4  }
0xdb: {  	v6 =	vand.u32 $0x7F, v5  }
0xdc: {  	v7 =	vor.u32 v4, v6;
	_ =	sdelay $0x2  }
0xdd: {  	v5 =	vshrl.u32 v5, $0x7;
	[tilespmem:$0x13E18] =	vst v6  }
0xde: {  	[tilespmem:$0x13D18] =	vst v5  }
0xdf: {  	s10 =	rddreg [dreg:$0x3];
	s24 =	simm.s32 $0x13D00;
	[tilespmem:v7+s21+$0x0] =	vst.idx.msk vm0, v2  }
0xe0: {  	[spmem:s10] =	stream.indirect.scatter.add.f32 [tilespmem:s21], [sflag:$0xD], $0x80, s24, s30, $0xb8;
	[tilespmem:$0x1DF00] =	vst v63  }
0xe1: {  	_ =	swait.ge [sflag:s0], $0x1400  }
0xe2: {  	[sflag:s0] =	ssyncset.done $0x0  }
0xe3: {  	[sflag:s0] =	ssyncadd.s32 $0xFFFFEC00  }
0xe4: {  	_ =	swait.ge [sflag:s14], $0x1400  }
0xe5: {  	[sflag:s14] =	ssyncset.done $0x0  }
0xe6: {  	[sflag:s14] =	ssyncadd.s32 $0xFFFFEC00  }
0xe7: {  	_ =	swait.ge [sflag:s15], $0x1400  }
0xe8: {  	[sflag:s15] =	ssyncset.done $0x0  }
0xe9: {  	s25 =	simm.s32 $0x0;
	[sflag:s15] =	ssyncadd.s32 $0xFFFFEC00  }
0xea: {  	v17 =	vld [tilespmem:s25+$0x18F00]  }
0xeb: {  	v22 =	vld [tilespmem:s25+$0x1A300]  }
0xec: {  	v24 =	vld [tilespmem:s25+$0x18F10]  }
0xed: {  	v25 =	vld [tilespmem:s25+$0x1A310]  }
0xee: {  	v10 =	vld [tilespmem:s25+$0x18F20]  }
0xef: {  	v14 =	vld [tilespmem:s25+$0x1A320]  }
0xf0: {  	v12 =	vld [tilespmem:s25+$0x18F30]  }
0xf1: {  	v16 =	vld [tilespmem:s25+$0x1A330]  }
0xf2: {  	v13 =	vld [tilespmem:s25+$0x18F40]  }
0xf3: {  	v15 =	vld [tilespmem:s25+$0x1A340]  }
0xf4: {  	v9 =	vld [tilespmem:s25+$0x18F50]  }
0xf5: {  	v11 =	vld [tilespmem:s25+$0x1A350]  }
0xf6: {  	v7 =	vld [tilespmem:s25+$0x18F60]  }
0xf7: {  	v8 =	vld [tilespmem:s25+$0x1A360]  }
0xf8: {  	v5 =	vld [tilespmem:s25+$0x18F70]  }
0xf9: {  	v6 =	vld [tilespmem:s25+$0x1A370]  }
0xfa: {  	v21 =	vld [tilespmem:s25+$0x1B700]  }
0xfb: {  	v20 =	vld [tilespmem:s25+$0x1B710]  }
0xfc: {  	v19 =	vld [tilespmem:s25+$0x1B720]  }
0xfd: {  	v18 =	vld [tilespmem:s25+$0x1B730];
	v23 =	vadd.f32 v22, v17  }
0xfe: {  	s10 =	simm.s32 $0x200;
	v22 =	vadd.f32 v25, v24;
	v17 =	vld [tilespmem:s25+$0x1B740]  }
.LBB2_9:
0xff: {  	p1 =	sne.s32 s10, $0x4E00;
	v21 =	vadd.f32 v21, v23;
	v10 =	vadd.f32 v14, v10;
	v14 =	vld [tilespmem:s25+$0x1B750]  }
0x100: {  	v12 =	vadd.f32 v16, v12;
	v20 =	vadd.f32 v20, v22;
	v16 =	vld [tilespmem:s25+$0x1B760]  }
0x101: {  	s24 =	sshra.s32 s10, $0x2;
	v13 =	vadd.f32 v15, v13;
	v21 =	vmax.f32 v21, $0.0e+00;
	v10 =	vadd.f32 v19, v10;
	v15 =	vld [tilespmem:s25+$0x1B770]  }
0x102: {  	v9 =	vadd.f32 v11, v9;
	v22 =	vld [tilespmem:s24+$0x18F00];
	[tilespmem:s25+$0x1B700] =	vst v21;
	v19 =	vmax.f32 v20, $0.0e+00;
	v12 =	vadd.f32 v18, v12  }
0x103: {  	v7 =	vadd.f32 v8, v7;
	v18 =	vld [tilespmem:s24+$0x1A300];
	[tilespmem:s25+$0x1B710] =	vst v19;
	v10 =	vmax.f32 v10, $0.0e+00;
	v11 =	vadd.f32 v17, v13  }
0x104: {  	v5 =	vadd.f32 v6, v5;
	v17 =	vld [tilespmem:s24+$0x18F10];
	[tilespmem:s25+$0x1B720] =	vst v10;
	v8 =	vmax.f32 v12, $0.0e+00;
	v9 =	vadd.f32 v14, v9  }
0x105: {  	v24 =	vld [tilespmem:s24+$0x1A310];
	[tilespmem:s25+$0x1B730] =	vst v8;
	v6 =	vmax.f32 v11, $0.0e+00;
	v7 =	vadd.f32 v16, v7  }
0x106: {  	v10 =	vld [tilespmem:s24+$0x18F20];
	[tilespmem:s25+$0x1B740] =	vst v6;
	v6 =	vmax.f32 v9, $0.0e+00;
	v5 =	vadd.f32 v15, v5  }
0x107: {  	v14 =	vld [tilespmem:s24+$0x1A320];
	[tilespmem:s25+$0x1B750] =	vst v6;
	v6 =	vmax.f32 v7, $0.0e+00  }
0x108: {  	v12 =	vld [tilespmem:s24+$0x18F30];
	[tilespmem:s25+$0x1B760] =	vst v6;
	v5 =	vmax.f32 v5, $0.0e+00  }
0x109: {  	v16 =	vld [tilespmem:s24+$0x1A330];
	[tilespmem:s25+$0x1B770] =	vst v5;
	s25 =	smov.u32 s24  }
0x10a: {  	v13 =	vld [tilespmem:s25+$0x18F40]  }
0x10b: {  	v15 =	vld [tilespmem:s25+$0x1A340]  }
0x10c: {  	v9 =	vld [tilespmem:s25+$0x18F50]  }
0x10d: {  	v11 =	vld [tilespmem:s25+$0x1A350]  }
0x10e: {  	v7 =	vld [tilespmem:s25+$0x18F60]  }
0x10f: {  	v8 =	vld [tilespmem:s25+$0x1A360]  }
0x110: {  	v5 =	vld [tilespmem:s25+$0x18F70]  }
0x111: {  	v6 =	vld [tilespmem:s25+$0x1A370]  }
.Ltmp3:
0x112: {  	v21 =	vld [tilespmem:s25+$0x1B700];
	(pc) =	sbr.rel @p1 .LBB2_9-.Ltmp3, $4  }
0x113: {  	v20 =	vld [tilespmem:s25+$0x1B710]  }
0x114: {  	v19 =	vld [tilespmem:s25+$0x1B720]  }
0x115: {  	v23 =	vadd.f32 v18, v22;
	v18 =	vld [tilespmem:s25+$0x1B730]  }
0x116: {  	s10 =	sadd.s32 $0x200, s10;
	v22 =	vadd.f32 v24, v17;
	v17 =	vld [tilespmem:s25+$0x1B740]  }
0x117: {  	v21 =	vadd.f32 v21, v23;
	v10 =	vadd.f32 v14, v10;
	v58 =	vld [tilespmem:s25+$0x1B750]  }
0x118: {  	v12 =	vadd.f32 v16, v12;
	v60 =	vld [tilespmem:s25+$0x1B770];
	v20 =	vadd.f32 v20, v22  }
0x119: {  	v59 =	vld [tilespmem:s25+$0x1B760];
	v13 =	vadd.f32 v15, v13;
	v21 =	vmax.f32 v21, $0.0e+00;
	v10 =	vadd.f32 v19, v10  }
0x11a: {  	v9 =	vadd.f32 v11, v9;
	[tilespmem:s25+$0x1B700] =	vst v21;
	v61 =	vmax.f32 v20, $0.0e+00;
	v12 =	vadd.f32 v18, v12  }
0x11b: {  	v5 =	vadd.f32 v6, v5;
	[tilespmem:s25+$0x1B710] =	vst v61;
	v10 =	vmax.f32 v10, $0.0e+00;
	v62 =	vadd.f32 v17, v13  }
0x11c: {  	v7 =	vadd.f32 v8, v7;
	[tilespmem:s25+$0x1B720] =	vst v10;
	v63 =	vmax.f32 v12, $0.0e+00;
	v9 =	vadd.f32 v58, v9  }
0x11d: {  	v5 =	vadd.f32 v60, v5;
	[tilespmem:s25+$0x1B730] =	vst v63;
	v6 =	vmax.f32 v62, $0.0e+00  }
0x11e: {  	v7 =	vadd.f32 v59, v7;
	[tilespmem:s25+$0x1B740] =	vst v6;
	v6 =	vmax.f32 v9, $0.0e+00  }
0x11f: {  	v5 =	vmax.f32 v5, $0.0e+00;
	[tilespmem:s25+$0x1B750] =	vst v6  }
0x120: {  	v6 =	vmax.f32 v7, $0.0e+00;
	[tilespmem:s25+$0x1B770] =	vst v5  }
0x121: {  	s29 =	simm.s32 $0x13C80;
	s10 =	simm.s32 $0x1B700;
	[tilespmem:s25+$0x1B760] =	vst v6  }
0x122: {  	[spmem:s16] =	stream.indirect.scatter.add.f32 [tilespmem:s10], [sflag:$0xC], $0x80, s29, s30, $0xb8;
	[tilespmem:$0x1DF00] =	vst v63  }
0x123: {  	v5 =	vld [tilespmem:$0x13C80];
	_ =	sdelay $0x4  }
0x124: {  	v6 =	vand.u32 $0x7F, v5  }
0x125: {  	v7 =	vor.u32 v0, v6;
	_ =	sdelay $0x2  }
0x126: {  	v5 =	vshrl.u32 v5, $0x7;
	[tilespmem:$0x13E80] =	vst v6  }
0x127: {  	[tilespmem:$0x13D80] =	vst v5  }
0x128: {  	[tilespmem:v7+s31+$0x0] =	vst.idx.msk $0xffff, v2  }
0x129: {  	v5 =	vld [tilespmem:$0x13C90];
	_ =	sdelay $0x4  }
0x12a: {  	v6 =	vand.u32 $0x7F, v5  }
0x12b: {  	v7 =	vor.u32 v3, v6;
	_ =	sdelay $0x2  }
0x12c: {  	v5 =	vshrl.u32 v5, $0x7;
	[tilespmem:$0x13E90] =	vst v6  }
0x12d: {  	[tilespmem:$0x13D90] =	vst v5  }
0x12e: {  	[tilespmem:v7+s31+$0x0] =	vst.idx.msk $0xffff, v2  }
0x12f: {  	v5 =	vld [tilespmem:$0x13C98];
	_ =	sdelay $0x4  }
0x130: {  	v6 =	vand.u32 $0x7F, v5  }
0x131: {  	v7 =	vor.u32 v4, v6;
	_ =	sdelay $0x2  }
0x132: {  	v5 =	vshrl.u32 v5, $0x7;
	[tilespmem:$0x13E98] =	vst v6  }
0x133: {  	[tilespmem:$0x13D98] =	vst v5  }
0x134: {  	s24 =	rddreg [dreg:$0x3];
	s25 =	simm.s32 $0x13D80;
	[tilespmem:v7+s31+$0x0] =	vst.idx.msk vm0, v2  }
0x135: {  	[spmem:s24] =	stream.indirect.scatter.add.f32 [tilespmem:s31], [sflag:$0xE], $0x80, s25, s30, $0xb8;
	[tilespmem:$0x1DF00] =	vst v63  }
0x136: {  	_ =	swait.ge [sflag:s23], $0x1400  }
0x137: {  	[sflag:s23] =	ssyncset.done $0x0  }
0x138: {  	[sflag:s23] =	ssyncadd.s32 $0xFFFFEC00  }
0x139: {  	v5 =	vld [tilespmem:$0x13E00];
	_ =	sdelay $0x4  }
0x13a: {  	v5 =	vadd.s32 v0, v5;
	_ =	sdelay $0x4  }
0x13b: {  	[tilespmem:v5+s21+$0x0] =	vst.idx.msk $0xffff, v1  }
0x13c: {  	v5 =	vld [tilespmem:$0x13E10];
	_ =	sdelay $0x4  }
0x13d: {  	v5 =	vadd.s32 v3, v5;
	_ =	sdelay $0x4  }
0x13e: {  	[tilespmem:v5+s21+$0x0] =	vst.idx.msk $0xffff, v1  }
0x13f: {  	v5 =	vld [tilespmem:$0x13E18];
	_ =	sdelay $0x4  }
0x140: {  	v5 =	vadd.s32 v4, v5;
	_ =	sdelay $0x4  }
0x141: {  	p1 =	seq.s32 s3, $0x7C;
	[tilespmem:v5+s21+$0x0] =	vst.idx.msk vm0, v1  }
0x142: {  	s26 =	smov.u32 s16;
	s10 =	sadd.s32 @!p1 s12, s17;
	_ =	swait.ge [sflag:s1], $0x1400  }
0x143: {  	s16 =	simm.s32 @!p1 $0x13B00;
	s10 =	sshrl.u32 @!p1 s10, $0x3;
	[sflag:s1] =	ssyncset.done $0x0  }
0x144: {  	s24 =	sadd.s32 @!p1 s8, s10;
	s25 =	simm.s32 @!p1 $0x0;
	[sflag:s1] =	ssyncadd.s32 $0xFFFFEC00  }
0x145: {  	[tilespmem:s16], [sflag:$0x1] =	stream.linear.gather @!p1 [hbm4b:s24+s25], $0x28, $0x38;
	[tilespmem:$0x1DF00] =	vst v63  }
0x146: {  	s10 =	sadd.s32 @!p1 s9, s10;
	s16 =	simm.s32 @!p1 $0x13B80  }
0x147: {  	[tilespmem:s16], [sflag:$0x2] =	stream.linear.gather @!p1 [hbm4b:s10+s25], $0x28, $0x38;
	[tilespmem:$0x1DF00] =	vst v63  }
0x148: {  	_ =	swait.ge [sflag:s2], $0x1400  }
0x149: {  	[sflag:s2] =	ssyncset.done $0x0  }
0x14a: {  	[sflag:s2] =	ssyncadd.s32 $0xFFFFEC00  }
0x14b: {  	v5 =	vld [tilespmem:$0x13E80];
	_ =	sdelay $0x4  }
0x14c: {  	v5 =	vadd.s32 v0, v5;
	_ =	sdelay $0x4  }
0x14d: {  	[tilespmem:v5+s31+$0x0] =	vst.idx.msk $0xffff, v1  }
0x14e: {  	v5 =	vld [tilespmem:$0x13E90];
	_ =	sdelay $0x4  }
0x14f: {  	v5 =	vadd.s32 v3, v5;
	_ =	sdelay $0x4  }
0x150: {  	[tilespmem:v5+s31+$0x0] =	vst.idx.msk $0xffff, v1  }
0x151: {  	v5 =	vld [tilespmem:$0x13E98];
	_ =	sdelay $0x4  }
0x152: {  	v5 =	vadd.s32 v4, v5;
	_ =	sdelay $0x3  }
.Ltmp4:
0x153: {  	_ = 	snop;
	(pc) =	sbr.rel @p1 .LBB2_12-.Ltmp4, $4  }
0x154: {  	[tilespmem:v5+s31+$0x0] =	vst.idx.msk vm0, v1  }
0x155: {  	_ =	swait.ge [sflag:s18], $0x1400  }
0x156: {  	[sflag:s18] =	ssyncset.done $0x0  }
0x157: {  	[sflag:s18] =	ssyncadd.s32 $0xFFFFEC00  }
0x158: {  	s10 =	rddreg [dreg:$0xc]  }
0x159: {  	s10 =	sadd.s32 s12, s10  }
0x15a: {  	s10 =	sshrl.u32 s10, $0x3  }
0x15b: {  	s24 =	simm.s32 $0x0;
	s25 =	simm.s32 $0x13C00;
	s16 =	sadd.s32 s8, s10  }
0x15c: {  	[tilespmem:s25], [sflag:$0x3] =	stream.linear.gather [hbm4b:s16+s24], $0x28, $0x38;
	[tilespmem:$0x1DF00] =	vst v63  }
0x15d: {  	s10 =	sadd.s32 s9, s10;
	s16 =	simm.s32 $0x1  }
0x15e: {  	[tilespmem:s29], [sflag:$0x4] =	stream.linear.gather [hbm4b:s10+s24], $0x28, $0x38;
	[tilespmem:$0x1DF00] =	vst v63  }
0x15f: {  	_ =	swait.ge [sflag:s16], $0x28  }
0x160: {  	[sflag:s16] =	ssyncset.done $0x0  }
0x161: {  	[sflag:s16] =	ssyncadd.s32 $0xFFFFFFD8;
	s16 =	simm.s32 $0x2  }
0x162: {  	_ =	swait.ge [sflag:s16], $0x28  }
0x163: {  	[sflag:s16] =	ssyncset.done $0x0  }
0x164: {  	s10 =	simm.s32 $0x13B00;
	[sflag:s16] =	ssyncadd.s32 $0xFFFFFFD8;
	s16 =	simm.s32 $0x13F00  }
0x165: {  	[tilespmem:s16], [sflag:$0x5] =	stream.indirect.gather [hbm4b:s4+s30], $0x80, s10, s30, $0xb8;
	[tilespmem:$0x1DF00] =	vst v63  }
0x166: {  	s16 =	simm.s32 $0x15300  }
0x167: {  	[tilespmem:s16], [sflag:$0x6] =	stream.indirect.gather [hbm4b:s6+s30], $0x80, s28, s30, $0xb8;
	[tilespmem:$0x1DF00] =	vst v63  }
.Ltmp5:
0x168: {  	_ = 	snop;
	(pc) =	sbr.rel .LBB2_6-.Ltmp5, $4  }
0x169: {  	s16 =	sadd.s32 s12, s17  }
0x16a: {  	s3 =	sadd.s32 $0x1, s3;
	s29 =	simm.s32 $0x16700;
	s10 =	sshll.u32 s16, $0x4  }
0x16b: {  	s16 =	smov.u32 s26;
	s26 =	simm.s32 $0x13C80;
	s10 =	sadd.s32 s7, s10  }
0x16c: {  	[tilespmem:s29], [sflag:$0x7] =	stream.linear.gather [hbm4b:s10+s24], $0x1400, $0x38;
	[tilespmem:$0x1DF00] =	vst v63  }
.LBB2_12:
0x16d: {  	s3 =	sadd.s32 $0x0, s5;
	[bflag:$0x0] =	sbarrier.arrive $0xFFFF  }
0x16e: {  	p1 =	sgt.u32 s3, $0xF9;
	s4 =	rddreg [dreg:$0xf]  }
0x16f: {  	s16 =	rddreg [dreg:$0x10];
	s3 =	sshll.u32 @!p1 s5, $0x6  }
0x170: {  	s10 =	sshrl.u32 @!p1 s4, $0x3;
	s25 =	simm.s32 @!p1 $0xF;
	s3 =	sor.u32 @!p1 $0x1C0F, s3  }
0x171: {  	[hbm:s16], [sflag:s3] =	dma.local @!p1 [spmem:s10], $0x280  }
0x172: {  	s12 =	simm.s32 $0x20;
	s24 =	sadd.s32 $0x10, s5;
	_ =	swait.ge @!p1 [sflag:s25], $0x280  }
0x173: {  	s3 =	sadd.s32 $0x14000, s4;
	s10 =	sadd.s32 $0x2800, s16;
	[sflag:s25] =	ssyncset.done @!p1 $0x0  }
.LBB2_13:
0x174: {  	s16 =	smov.u32 s12;
	s12 =	sadd.s32 $0x10, s12  }
0x175: {  	[sflag:s25] =	ssyncadd.s32 @!p1 $0xFFFFFD80;
	p1 =	sgt.u32 s24, $0xF9;
	p2 =	sne.s32 s12, $0x100  }
.Ltmp6:
0x176: {  	s24 =	sshll.u32 @!p1 s5, $0x6;
	s4 =	sshrl.u32 @!p1 s3, $0x3;
	(pc) =	sbr.rel @p2 .LBB2_13-.Ltmp6, $4  }
0x177: {  	s25 =	simm.s32 @!p1 $0xF;
	s24 =	sor.u32 @!p1 $0x1C0F, s24  }
0x178: {  	[hbm:s10], [sflag:s24] =	dma.local @!p1 [spmem:s4], $0x280  }
0x179: {  	s3 =	sadd.s32 $0x14000, s3;
	_ =	swait.ge @!p1 [sflag:s25], $0x280  }
0x17a: {  	s24 =	sadd.s32 s16, s5;
	s10 =	sadd.s32 $0x2800, s10;
	[sflag:s25] =	ssyncset.done @!p1 $0x0  }
0x17b: {  	p2 =	sgt.u32 s24, $0xF9  }
0x17c: {  	[sflag:s25] =	ssyncadd.s32 @!p1 $0xFFFFFD80;
	s4 =	sshll.u32 @!p2 s5, $0x6  }
0x17d: {  	s3 =	sshrl.u32 @!p2 s3, $0x3;
	s12 =	simm.s32 @!p2 $0xF;
	s4 =	sor.u32 @!p2 $0x1C0F, s4  }
0x17e: {  	[hbm:s10], [sflag:s4] =	dma.local @!p2 [spmem:s3], $0x280  }
0x17f: {  	_ =	swait.ge @!p2 [sflag:s12], $0x280  }
0x180: {  	[sflag:s12] =	ssyncset.done @!p2 $0x0  }
0x181: {  	[sflag:s12] =	ssyncadd.s32 @!p2 $0xFFFFFD80  }
0x182: {  	s3 =	rddreg [dreg:$0x3]  }
0x183: {  	s4 =	simm.s32 @!p0 $0x1C0F;
	s10 =	rddreg [dreg:$0xd];
	s3 =	sshrl.u32 @!p0 s3, $0x3  }
0x184: {  	[hbm:s10], [sflag:s4] =	dma.local @!p0 [spmem:s3], $0x500  }
0x185: {  	s3 =	simm.s32 @!p0 $0xF  }
0x186: {  	_ =	swait.ge @!p0 [sflag:s3], $0x500  }
0x187: {  	s24 =	rddreg [dreg:$0x11]  }
0x188: {  	s25 =	rddreg [dreg:$0xe];
	s10 =	sadd.s32 $0x1, s24  }
0x189: {  	p1 =	sne.s32 s10, s25  }
.Ltmp7:
0x18a: {  	_ = 	snop;
	(pc) =	sbr.rel @p1 .LBB2_1-.Ltmp7, $4  }
0x18b: {  	_ = 	snop  }
0x18c: {  	[sflag:s3] =	ssyncset.done @!p0 $0x0  }
0x18d: {  	s16 =	smov.u32 s26;
	[sflag:s3] =	ssyncadd.s32 @!p0 $0xFFFFFB00  }
0x18e: {  	s26 =	simm.s32 $0x13C80;
	s29 =	simm.s32 $0x16700;
	s4 =	rddreg [dreg:$0x0]  }
0x18f: {  	_ =	sfence.sel $0x180000  }
0x190: {  	[bflag:$0x0] =	sbarrier.arrive $0xFFFF  }
0x191: {  	_ =	strace $0x90000047  }
0x192: {  	[bflag:$0x2] =	sbarrier.arrive $0xFFFF  }
0x193: {  	s0 =	rddreg [dreg:$0x4]  }
0x194: {  	s0 =	sadd.s32 @!p0 $0x100000, s0  }
0x195: {  	[sflag:s0] =	ssyncadd.tile.s32 @!p0 $0x1;
	_ =	shalt  }
.Lfunc_end2:
_tile_overlayer_lowered:
.L_overlay_start_2:
0x196: {  	(tag) =	ssettag $0x2  }
0x197: {  	s0 =	rddreg [dreg:$0x0];
	s2 =	stileid.u32  }
0x198: {  	s1 =	rddreg [dreg:$0x1];
	p0 =	sne.s32 s2, $0x0  }
0x199: {  	s3 =	rddreg [dreg:$0x2];
	[bflag:$0x3] =	sbarrier.arrive $0xFFFF;
	s2 =	simm.s32 @!p0 $0x1C0F  }
0x19a: {  	[timem:s3], [sflag:s2] =	dma.local @!p0 [hbm:s0], s1  }
0x19b: {  	s0 =	simm.s32 @!p0 $0xF  }
0x19c: {  	_ =	swait.ge @!p0 [sflag:s0], s1  }
0x19d: {  	s1 =	ssub.s32 @!p0 $0x0, s1;
	[sflag:s0] =	ssyncset.done @!p0 $0x0  }
0x19e: {  	[sflag:s0] =	ssyncadd.s32 @!p0 s1  }
0x19f: {  	[bflag:$0x3] =	sbarrier.arrive $0xFFFF  }
0x1a0: {  	_ =	shalt  }

</sc_bundles>
